<compile_context>
chip_gen: v7x
topology: tpu7x:2x2x1
jax: 0.10.2.dev20260603
libtpu: 0.0.44.dev20260713+nightly
codegen_flags: <defaults>
</compile_context>

<pallas_src>
import functools

import jax
import jax.numpy as jnp
from jax import lax
from jax.experimental import pallas as pl
from jax.experimental.pallas import tpu as pltpu
from jax.experimental.pallas import tpu_sc as plsc

VOCAB = 100000
EMB = 64
SEQ = 200
BATCH = 4096

_info = plsc.get_sparse_core_info()
_NC, _NS = _info.num_cores, _info.num_subcores
_NW = _NC * _NS
_BPW = BATCH // _NW
_NG = _BPW // 16


def _sc_embed(idxT_hbm, wordT_hbm, pos_hbm, out_hbm,
              word_v, pos_v, idx_blk, buf0, buf1, sem0, sem1):
    wid = lax.axis_index("s") * _NC + lax.axis_index("c")
    b0 = wid * _BPW

    pltpu.sync_copy(wordT_hbm, word_v)
    pltpu.sync_copy(pos_hbm, pos_v)
    pltpu.sync_copy(idxT_hbm.at[:, pl.ds(b0, _BPW)], idx_blk)

    def compute(l, buf):
        vg = [idx_blk[l, pl.ds(16 * g, 16)] for g in range(_NG)]

        zeros = jnp.full((16,), 0, jnp.int32)
        lvec = zeros + l

        def ebody(e, _):
            pe = plsc.load_gather(pos_v, [lvec, zeros + e])
            erow = zeros + e
            ws = [plsc.load_gather(word_v, [erow, vg[g]]) for g in range(_NG)]
            for g in range(_NG):
                buf[e, pl.ds(16 * g, 16)] = ws[g] + pe
            return 0

        lax.fori_loop(0, EMB, ebody, 0, unroll=2)

    def lbody(i, _):
        l0 = 2 * i
        l1 = 2 * i + 1

        @pl.when(i > 0)
        def _():
            pltpu.make_async_copy(
                buf0, out_hbm.at[l0 - 2, :, pl.ds(b0, _BPW)], sem0).wait()

        compute(l0, buf0)
        pltpu.make_async_copy(
            buf0, out_hbm.at[l0, :, pl.ds(b0, _BPW)], sem0).start()

        @pl.when(i > 0)
        def _():
            pltpu.make_async_copy(
                buf1, out_hbm.at[l1 - 2, :, pl.ds(b0, _BPW)], sem1).wait()

        compute(l1, buf1)
        pltpu.make_async_copy(
            buf1, out_hbm.at[l1, :, pl.ds(b0, _BPW)], sem1).start()
        return 0

    lax.fori_loop(0, SEQ // 2, lbody, 0)

    pltpu.make_async_copy(
        buf0, out_hbm.at[SEQ - 2, :, pl.ds(b0, _BPW)], sem0).wait()
    pltpu.make_async_copy(
        buf1, out_hbm.at[SEQ - 1, :, pl.ds(b0, _BPW)], sem1).wait()


@jax.jit
def _embed(idxT, wordT, pos):
    k = functools.partial(
        pl.kernel,
        mesh=plsc.VectorSubcoreMesh(core_axis_name="c", subcore_axis_name="s"),
        out_type=jax.ShapeDtypeStruct((SEQ, EMB, BATCH), jnp.float32),
        scratch_types=[
            pltpu.VMEM((EMB, SEQ), jnp.float32),
            pltpu.VMEM((SEQ, EMB), jnp.float32),
            pltpu.VMEM((SEQ, _BPW), jnp.int32),
            pltpu.VMEM((EMB, _BPW), jnp.float32),
            pltpu.VMEM((EMB, _BPW), jnp.float32),
            pltpu.SemaphoreType.DMA,
            pltpu.SemaphoreType.DMA,
        ],
        compiler_params=pltpu.CompilerParams(needs_layout_passes=False),
    )(_sc_embed)
    out = k(idxT, wordT, pos)
    return jnp.transpose(out, (2, 0, 1))


def kernel(input_idx, W_word, W_pos):
    idxT = jnp.transpose(input_idx.astype(jnp.int32))
    wordT = jnp.transpose(W_word[:SEQ])
    return _embed(idxT, wordT, W_pos)

# --- scband reference (transcript-rebuilt; emitter-appended) ---
"""Pipeline reference for scband-embedding-layer-81458349736089 (READ-ONLY COPY).

The authoritative reference and input builder live on the scoring server;
editing this copy changes nothing except your own understanding.
"""

import jax, jax.numpy as jnp
import numpy as np

VOCAB = 100000
EMB = 64
SEQ = 200
BATCH = 4096

def setup_inputs(seed: int = 0) -> dict:
    key = jax.random.key(seed)
    k1, k2, k3 = jax.random.split(key, 3)
    # NOTE: the original module raises if any index >= runtime seq_len, so indices must be < SEQ
    input_idx = jax.random.randint(k1, (BATCH, SEQ), 0, SEQ, dtype=jnp.int64 if jax.config.jax_enable_x64 else jnp.int32)
    W_word = jax.random.normal(k2, (VOCAB, EMB), dtype=jnp.float32)
    W_pos = jax.random.normal(k3, (SEQ, EMB), dtype=jnp.float32)
    return {"input_idx": input_idx, "W_word": W_word, "W_pos": W_pos}

def reference(input_idx, W_word, W_pos):
    # word embedding lookup: gather rows from the word table
    word_embed = jnp.take(W_word, input_idx, axis=0)  # [B, L, EMB]
    L = input_idx.shape[1]
    # positional embedding: gather rows 0..L-1 from the positional table
    position_embed = jnp.take(W_pos, jnp.arange(L), axis=0)  # [L, EMB]
    return word_embed + position_embed[None, :, :]

if __name__ == "__main__":
    import jax
    _d = setup_inputs()
    print(jax.jit(kernel)(*tuple(_d.values())))

</pallas_src>

<mosaic_0001>
#map = affine_map<(d0, d1) -> (0, 0)>
#map1 = affine_map<(d0, d1) -> (0, 0, 0)>
module attributes {stable_mosaic.version = 14 : i64} {
  func.func @_sc_embed(%arg0: i32, %arg1: i32, %arg2: memref<200x4096xi32, #tpu.memory_space<hbm>>, %arg3: memref<64x200xf32, #tpu.memory_space<hbm>>, %arg4: memref<200x64xf32, #tpu.memory_space<hbm>>, %arg5: memref<200x64x4096xf32, #tpu.memory_space<hbm>>, %arg6: memref<64x200xf32, #tpu.memory_space<vmem>>, %arg7: memref<200x64xf32, #tpu.memory_space<vmem>>, %arg8: memref<200x128xi32, #tpu.memory_space<vmem>>, %arg9: memref<64x128xf32, #tpu.memory_space<vmem>>, %arg10: memref<64x128xf32, #tpu.memory_space<vmem>>, %arg11: memref<!tpu.dma_semaphore, #tpu.memory_space<semaphore_mem>>, %arg12: memref<!tpu.dma_semaphore, #tpu.memory_space<semaphore_mem>>) attributes {dimension_semantics = [#tpu.dimension_semantics<core_parallel>, #tpu.dimension_semantics<subcore_parallel>], iteration_bounds = array<i64: 2, 16>, scalar_prefetch = 0 : i64, scratch_operands = 7 : i64, tpu.core_type = #tpu.core_type<sc_vector_subcore>, window_params = [{transform_indices = #map}, {transform_indices = #map}, {transform_indices = #map}, {transform_indices = #map1}]} {
    %mul3A = arith.constant 2 : i32
    %mul3A_0 = arith.muli %arg1, %mul3A : i32
    %add3A = arith.addi %mul3A_0, %arg0 : i32
    %mul3A_1 = arith.constant 128 : i32
    %mul3A_2 = arith.muli %add3A, %mul3A_1 : i32
    "tpu.region"() ({
      %run_scoped3A = tpu.sem_alloc : memref<!tpu.dma_semaphore, #tpu.memory_space<semaphore_mem>>
      tpu.enqueue_dma source(%arg3 : memref<64x200xf32, #tpu.memory_space<hbm>>) target(%arg6 : memref<64x200xf32, #tpu.memory_space<vmem>>) target_semaphore(%run_scoped3A : memref<!tpu.dma_semaphore, #tpu.memory_space<semaphore_mem>>)
      tpu.wait_dma2 semaphore(%run_scoped3A : memref<!tpu.dma_semaphore, #tpu.memory_space<semaphore_mem>>) src(%arg3 : memref<64x200xf32, #tpu.memory_space<hbm>>) dst(%arg6 : memref<64x200xf32, #tpu.memory_space<vmem>>)
      tpu.yield
    }) : () -> ()
    "tpu.region"() ({
      %run_scoped3A = tpu.sem_alloc : memref<!tpu.dma_semaphore, #tpu.memory_space<semaphore_mem>>
      tpu.enqueue_dma source(%arg4 : memref<200x64xf32, #tpu.memory_space<hbm>>) target(%arg7 : memref<200x64xf32, #tpu.memory_space<vmem>>) target_semaphore(%run_scoped3A : memref<!tpu.dma_semaphore, #tpu.memory_space<semaphore_mem>>)
      tpu.wait_dma2 semaphore(%run_scoped3A : memref<!tpu.dma_semaphore, #tpu.memory_space<semaphore_mem>>) src(%arg4 : memref<200x64xf32, #tpu.memory_space<hbm>>) dst(%arg7 : memref<200x64xf32, #tpu.memory_space<vmem>>)
      tpu.yield
    }) : () -> ()
    "tpu.region"() ({
      %run_scoped3A = tpu.sem_alloc : memref<!tpu.dma_semaphore, #tpu.memory_space<semaphore_mem>>
      %dma_start3A = arith.constant 0 : i32
      %dma_start3A_22 = tpu.memref_slice %arg2[%dma_start3A, %mul3A_2] : memref<200x4096xi32, #tpu.memory_space<hbm>> -> memref<200x128xi32, #tpu.memory_space<hbm>>
      %dma_start3A_23 = arith.constant 0 : i32
      %dma_start3A_24 = tpu.memref_slice %arg2[%dma_start3A_23, %mul3A_2] : memref<200x4096xi32, #tpu.memory_space<hbm>> -> memref<200x128xi32, #tpu.memory_space<hbm>>
      tpu.enqueue_dma source(%dma_start3A_24 : memref<200x128xi32, #tpu.memory_space<hbm>>) target(%arg8 : memref<200x128xi32, #tpu.memory_space<vmem>>) target_semaphore(%run_scoped3A : memref<!tpu.dma_semaphore, #tpu.memory_space<semaphore_mem>>)
      %dma_wait3A_25 = arith.constant 0 : i32
      %dma_wait3A_26 = tpu.memref_slice %arg2[%dma_wait3A_25, %mul3A_2] : memref<200x4096xi32, #tpu.memory_space<hbm>> -> memref<200x128xi32, #tpu.memory_space<hbm>>
      %dma_wait3A_27 = arith.constant 0 : i32
      %dma_wait3A_28 = tpu.memref_slice %arg2[%dma_wait3A_27, %mul3A_2] : memref<200x4096xi32, #tpu.memory_space<hbm>> -> memref<200x128xi32, #tpu.memory_space<hbm>>
      tpu.wait_dma2 semaphore(%run_scoped3A : memref<!tpu.dma_semaphore, #tpu.memory_space<semaphore_mem>>) src(%dma_wait3A_28 : memref<200x128xi32, #tpu.memory_space<hbm>>) dst(%arg8 : memref<200x128xi32, #tpu.memory_space<vmem>>)
      tpu.yield
    }) : () -> ()
    %scan3A = arith.constant 0 : i32
    %scan3A_3 = arith.constant 0 : i32
    %scan3A_4 = arith.constant 100 : i32
    %scan3A_5 = arith.addi %scan3A_3, %scan3A_4 : i32
    %scan3A_6 = arith.constant 1 : i32
    %scan3A_7 = scf.for %scan3A_22 = %scan3A_3 to %scan3A_5 step %scan3A_6 iter_args(%scan3A_23 = %scan3A) -> (i32)  : i32 {
      %mul3A_24 = arith.constant 2 : i32
      %mul3A_25 = arith.muli %mul3A_24, %scan3A_22 : i32
      %mul3A_26 = arith.constant 2 : i32
      %mul3A_27 = arith.muli %mul3A_26, %scan3A_22 : i32
      %add3A_28 = arith.constant 1 : i32
      %add3A_29 = arith.addi %mul3A_27, %add3A_28 : i32
      %gt3A = arith.constant 0 : i32
      %gt3A_30 = arith.cmpi sgt, %scan3A_22, %gt3A : i32
      %convert_element_type3A = arith.extui %gt3A_30 : i1 to i32
      %cond3A = arith.constant 0 : i32
      %cond3A_31 = arith.cmpi ne, %convert_element_type3A, %cond3A : i32
      scf.if %cond3A_31 {
        %sub3A = arith.constant 2 : i32
        %sub3A_117 = arith.subi %mul3A_25, %sub3A : i32
        %dma_wait3A_118 = arith.constant 0 : i32
        %dma_wait3A_119 = tpu.memref_slice %arg5[%sub3A_117, %dma_wait3A_118, %mul3A_2] : memref<200x64x4096xf32, #tpu.memory_space<hbm>> -> memref<1x64x128xf32, #tpu.memory_space<hbm>>
        %dma_wait3A_120 = tpu.memref_squeeze %dma_wait3A_119 : memref<1x64x128xf32, #tpu.memory_space<hbm>> -> memref<64x128xf32, #tpu.memory_space<hbm>>
        %dma_wait3A_121 = arith.constant 0 : i32
        %dma_wait3A_122 = tpu.memref_slice %arg5[%sub3A_117, %dma_wait3A_121, %mul3A_2] : memref<200x64x4096xf32, #tpu.memory_space<hbm>> -> memref<1x64x128xf32, #tpu.memory_space<hbm>>
        %dma_wait3A_123 = tpu.memref_squeeze %dma_wait3A_122 : memref<1x64x128xf32, #tpu.memory_space<hbm>> -> memref<64x128xf32, #tpu.memory_space<hbm>>
        tpu.wait_dma2 semaphore(%arg11 : memref<!tpu.dma_semaphore, #tpu.memory_space<semaphore_mem>>) src(%arg9 : memref<64x128xf32, #tpu.memory_space<vmem>>) dst(%dma_wait3A_123 : memref<64x128xf32, #tpu.memory_space<hbm>>)
      } else {
      }
      %get3A = arith.index_cast %mul3A_25 : i32 to index
      %get3A_32 = arith.constant 0 : index
      %get3A_33 = tpu.vector_load %arg8[%get3A, %get3A_32] {strides = array<i32>} : memref<200x128xi32, #tpu.memory_space<vmem>>, vector<16xi32>,
      %get3A_34 = arith.index_cast %mul3A_25 : i32 to index
      %get3A_35 = arith.constant 16 : index
      %get3A_36 = tpu.vector_load %arg8[%get3A_34, %get3A_35] {strides = array<i32>} : memref<200x128xi32, #tpu.memory_space<vmem>>, vector<16xi32>,
      %get3A_37 = arith.index_cast %mul3A_25 : i32 to index
      %get3A_38 = arith.constant 32 : index
      %get3A_39 = tpu.vector_load %arg8[%get3A_37, %get3A_38] {strides = array<i32>} : memref<200x128xi32, #tpu.memory_space<vmem>>, vector<16xi32>,
      %get3A_40 = arith.index_cast %mul3A_25 : i32 to index
      %get3A_41 = arith.constant 48 : index
      %get3A_42 = tpu.vector_load %arg8[%get3A_40, %get3A_41] {strides = array<i32>} : memref<200x128xi32, #tpu.memory_space<vmem>>, vector<16xi32>,
      %get3A_43 = arith.index_cast %mul3A_25 : i32 to index
      %get3A_44 = arith.constant 64 : index
      %get3A_45 = tpu.vector_load %arg8[%get3A_43, %get3A_44] {strides = array<i32>} : memref<200x128xi32, #tpu.memory_space<vmem>>, vector<16xi32>,
      %get3A_46 = arith.index_cast %mul3A_25 : i32 to index
      %get3A_47 = arith.constant 80 : index
      %get3A_48 = tpu.vector_load %arg8[%get3A_46, %get3A_47] {strides = array<i32>} : memref<200x128xi32, #tpu.memory_space<vmem>>, vector<16xi32>,
      %get3A_49 = arith.index_cast %mul3A_25 : i32 to index
      %get3A_50 = arith.constant 96 : index
      %get3A_51 = tpu.vector_load %arg8[%get3A_49, %get3A_50] {strides = array<i32>} : memref<200x128xi32, #tpu.memory_space<vmem>>, vector<16xi32>,
      %get3A_52 = arith.index_cast %mul3A_25 : i32 to index
      %get3A_53 = arith.constant 112 : index
      %get3A_54 = tpu.vector_load %arg8[%get3A_52, %get3A_53] {strides = array<i32>} : memref<200x128xi32, #tpu.memory_space<vmem>>, vector<16xi32>,
      %broadcast_in_dim3A = arith.constant 0 : i32
      %broadcast_in_dim3A_55 = vector.broadcast %broadcast_in_dim3A : i32 to vector<16xi32>
      %add3A_56 = vector.broadcast %mul3A_25 : i32 to vector<16xi32>
      %add3A_57 = arith.addi %broadcast_in_dim3A_55, %add3A_56 : vector<16xi32>
      %scan3A_58 = arith.constant 0 : i32
      %scan3A_59 = arith.constant 0 : i32
      %scan3A_60 = arith.constant 64 : i32
      %scan3A_61 = arith.addi %scan3A_59, %scan3A_60 : i32
      %scan3A_62 = arith.constant 2 : i32
      %scan3A_63 = scf.for %scan3A_117 = %scan3A_59 to %scan3A_61 step %scan3A_62 iter_args(%scan3A_118 = %scan3A_58) -> (i32)  : i32 {
        %add3A_119 = vector.broadcast %scan3A_117 : i32 to vector<16xi32>
        %add3A_120 = arith.addi %broadcast_in_dim3A_55, %add3A_119 : vector<16xi32>
        %gather3A = tpu.vector_load_idx %arg7[%add3A_57, %add3A_120] : memref<200x64xf32, #tpu.memory_space<vmem>>[vector<16xi32>, vector<16xi32>], vector<16xf32>,
        %add3A_121 = vector.broadcast %scan3A_117 : i32 to vector<16xi32>
        %add3A_122 = arith.addi %broadcast_in_dim3A_55, %add3A_121 : vector<16xi32>
        %gather3A_123 = tpu.vector_load_idx %arg6[%add3A_122, %get3A_33] : memref<64x200xf32, #tpu.memory_space<vmem>>[vector<16xi32>, vector<16xi32>], vector<16xf32>,
        %gather3A_124 = tpu.vector_load_idx %arg6[%add3A_122, %get3A_36] : memref<64x200xf32, #tpu.memory_space<vmem>>[vector<16xi32>, vector<16xi32>], vector<16xf32>,
        %gather3A_125 = tpu.vector_load_idx %arg6[%add3A_122, %get3A_39] : memref<64x200xf32, #tpu.memory_space<vmem>>[vector<16xi32>, vector<16xi32>], vector<16xf32>,
        %gather3A_126 = tpu.vector_load_idx %arg6[%add3A_122, %get3A_42] : memref<64x200xf32, #tpu.memory_space<vmem>>[vector<16xi32>, vector<16xi32>], vector<16xf32>,
        %gather3A_127 = tpu.vector_load_idx %arg6[%add3A_122, %get3A_45] : memref<64x200xf32, #tpu.memory_space<vmem>>[vector<16xi32>, vector<16xi32>], vector<16xf32>,
        %gather3A_128 = tpu.vector_load_idx %arg6[%add3A_122, %get3A_48] : memref<64x200xf32, #tpu.memory_space<vmem>>[vector<16xi32>, vector<16xi32>], vector<16xf32>,
        %gather3A_129 = tpu.vector_load_idx %arg6[%add3A_122, %get3A_51] : memref<64x200xf32, #tpu.memory_space<vmem>>[vector<16xi32>, vector<16xi32>], vector<16xf32>,
        %gather3A_130 = tpu.vector_load_idx %arg6[%add3A_122, %get3A_54] : memref<64x200xf32, #tpu.memory_space<vmem>>[vector<16xi32>, vector<16xi32>], vector<16xf32>,
        %add3A_131 = arith.addf %gather3A_123, %gather3A : vector<16xf32>
        %swap3A = arith.index_cast %scan3A_117 : i32 to index
        %swap3A_132 = arith.constant 0 : index
        %swap3A_133 = tpu.vector_load %arg9[%swap3A, %swap3A_132] {strides = array<i32>} : memref<64x128xf32, #tpu.memory_space<vmem>>, vector<16xf32>,
        tpu.vector_store %arg9[%swap3A, %swap3A_132], %add3A_131 {strides = array<i32>} : memref<64x128xf32, #tpu.memory_space<vmem>>, vector<16xf32>,
        %add3A_134 = arith.addf %gather3A_124, %gather3A : vector<16xf32>
        %swap3A_135 = arith.index_cast %scan3A_117 : i32 to index
        %swap3A_136 = arith.constant 16 : index
        %swap3A_137 = tpu.vector_load %arg9[%swap3A_135, %swap3A_136] {strides = array<i32>} : memref<64x128xf32, #tpu.memory_space<vmem>>, vector<16xf32>,
        tpu.vector_store %arg9[%swap3A_135, %swap3A_136], %add3A_134 {strides = array<i32>} : memref<64x128xf32, #tpu.memory_space<vmem>>, vector<16xf32>,
        %add3A_138 = arith.addf %gather3A_125, %gather3A : vector<16xf32>
        %swap3A_139 = arith.index_cast %scan3A_117 : i32 to index
        %swap3A_140 = arith.constant 32 : index
        %swap3A_141 = tpu.vector_load %arg9[%swap3A_139, %swap3A_140] {strides = array<i32>} : memref<64x128xf32, #tpu.memory_space<vmem>>, vector<16xf32>,
        tpu.vector_store %arg9[%swap3A_139, %swap3A_140], %add3A_138 {strides = array<i32>} : memref<64x128xf32, #tpu.memory_space<vmem>>, vector<16xf32>,
        %add3A_142 = arith.addf %gather3A_126, %gather3A : vector<16xf32>
        %swap3A_143 = arith.index_cast %scan3A_117 : i32 to index
        %swap3A_144 = arith.constant 48 : index
        %swap3A_145 = tpu.vector_load %arg9[%swap3A_143, %swap3A_144] {strides = array<i32>} : memref<64x128xf32, #tpu.memory_space<vmem>>, vector<16xf32>,
        tpu.vector_store %arg9[%swap3A_143, %swap3A_144], %add3A_142 {strides = array<i32>} : memref<64x128xf32, #tpu.memory_space<vmem>>, vector<16xf32>,
        %add3A_146 = arith.addf %gather3A_127, %gather3A : vector<16xf32>
        %swap3A_147 = arith.index_cast %scan3A_117 : i32 to index
        %swap3A_148 = arith.constant 64 : index
        %swap3A_149 = tpu.vector_load %arg9[%swap3A_147, %swap3A_148] {strides = array<i32>} : memref<64x128xf32, #tpu.memory_space<vmem>>, vector<16xf32>,
        tpu.vector_store %arg9[%swap3A_147, %swap3A_148], %add3A_146 {strides = array<i32>} : memref<64x128xf32, #tpu.memory_space<vmem>>, vector<16xf32>,
        %add3A_150 = arith.addf %gather3A_128, %gather3A : vector<16xf32>
        %swap3A_151 = arith.index_cast %scan3A_117 : i32 to index
        %swap3A_152 = arith.constant 80 : index
        %swap3A_153 = tpu.vector_load %arg9[%swap3A_151, %swap3A_152] {strides = array<i32>} : memref<64x128xf32, #tpu.memory_space<vmem>>, vector<16xf32>,
        tpu.vector_store %arg9[%swap3A_151, %swap3A_152], %add3A_150 {strides = array<i32>} : memref<64x128xf32, #tpu.memory_space<vmem>>, vector<16xf32>,
        %add3A_154 = arith.addf %gather3A_129, %gather3A : vector<16xf32>
        %swap3A_155 = arith.index_cast %scan3A_117 : i32 to index
        %swap3A_156 = arith.constant 96 : index
        %swap3A_157 = tpu.vector_load %arg9[%swap3A_155, %swap3A_156] {strides = array<i32>} : memref<64x128xf32, #tpu.memory_space<vmem>>, vector<16xf32>,
        tpu.vector_store %arg9[%swap3A_155, %swap3A_156], %add3A_154 {strides = array<i32>} : memref<64x128xf32, #tpu.memory_space<vmem>>, vector<16xf32>,
        %add3A_158 = arith.addf %gather3A_130, %gather3A : vector<16xf32>
        %swap3A_159 = arith.index_cast %scan3A_117 : i32 to index
        %swap3A_160 = arith.constant 112 : index
        %swap3A_161 = tpu.vector_load %arg9[%swap3A_159, %swap3A_160] {strides = array<i32>} : memref<64x128xf32, #tpu.memory_space<vmem>>, vector<16xf32>,
        tpu.vector_store %arg9[%swap3A_159, %swap3A_160], %add3A_158 {strides = array<i32>} : memref<64x128xf32, #tpu.memory_space<vmem>>, vector<16xf32>,
        %scan3A_162 = arith.constant 0 : i32
        %scan3A_163 = arith.constant 1 : i32
        %scan3A_164 = arith.addi %scan3A_117, %scan3A_163 : i32
        %add3A_165 = vector.broadcast %scan3A_164 : i32 to vector<16xi32>
        %add3A_166 = arith.addi %broadcast_in_dim3A_55, %add3A_165 : vector<16xi32>
        %gather3A_167 = tpu.vector_load_idx %arg7[%add3A_57, %add3A_166] : memref<200x64xf32, #tpu.memory_space<vmem>>[vector<16xi32>, vector<16xi32>], vector<16xf32>,
        %add3A_168 = vector.broadcast %scan3A_164 : i32 to vector<16xi32>
        %add3A_169 = arith.addi %broadcast_in_dim3A_55, %add3A_168 : vector<16xi32>
        %gather3A_170 = tpu.vector_load_idx %arg6[%add3A_169, %get3A_33] : memref<64x200xf32, #tpu.memory_space<vmem>>[vector<16xi32>, vector<16xi32>], vector<16xf32>,
        %gather3A_171 = tpu.vector_load_idx %arg6[%add3A_169, %get3A_36] : memref<64x200xf32, #tpu.memory_space<vmem>>[vector<16xi32>, vector<16xi32>], vector<16xf32>,
        %gather3A_172 = tpu.vector_load_idx %arg6[%add3A_169, %get3A_39] : memref<64x200xf32, #tpu.memory_space<vmem>>[vector<16xi32>, vector<16xi32>], vector<16xf32>,
        %gather3A_173 = tpu.vector_load_idx %arg6[%add3A_169, %get3A_42] : memref<64x200xf32, #tpu.memory_space<vmem>>[vector<16xi32>, vector<16xi32>], vector<16xf32>,
        %gather3A_174 = tpu.vector_load_idx %arg6[%add3A_169, %get3A_45] : memref<64x200xf32, #tpu.memory_space<vmem>>[vector<16xi32>, vector<16xi32>], vector<16xf32>,
        %gather3A_175 = tpu.vector_load_idx %arg6[%add3A_169, %get3A_48] : memref<64x200xf32, #tpu.memory_space<vmem>>[vector<16xi32>, vector<16xi32>], vector<16xf32>,
        %gather3A_176 = tpu.vector_load_idx %arg6[%add3A_169, %get3A_51] : memref<64x200xf32, #tpu.memory_space<vmem>>[vector<16xi32>, vector<16xi32>], vector<16xf32>,
        %gather3A_177 = tpu.vector_load_idx %arg6[%add3A_169, %get3A_54] : memref<64x200xf32, #tpu.memory_space<vmem>>[vector<16xi32>, vector<16xi32>], vector<16xf32>,
        %add3A_178 = arith.addf %gather3A_170, %gather3A_167 : vector<16xf32>
        %swap3A_179 = arith.index_cast %scan3A_164 : i32 to index
        %swap3A_180 = arith.constant 0 : index
        %swap3A_181 = tpu.vector_load %arg9[%swap3A_179, %swap3A_180] {strides = array<i32>} : memref<64x128xf32, #tpu.memory_space<vmem>>, vector<16xf32>,
        tpu.vector_store %arg9[%swap3A_179, %swap3A_180], %add3A_178 {strides = array<i32>} : memref<64x128xf32, #tpu.memory_space<vmem>>, vector<16xf32>,
        %add3A_182 = arith.addf %gather3A_171, %gather3A_167 : vector<16xf32>
        %swap3A_183 = arith.index_cast %scan3A_164 : i32 to index
        %swap3A_184 = arith.constant 16 : index
        %swap3A_185 = tpu.vector_load %arg9[%swap3A_183, %swap3A_184] {strides = array<i32>} : memref<64x128xf32, #tpu.memory_space<vmem>>, vector<16xf32>,
        tpu.vector_store %arg9[%swap3A_183, %swap3A_184], %add3A_182 {strides = array<i32>} : memref<64x128xf32, #tpu.memory_space<vmem>>, vector<16xf32>,
        %add3A_186 = arith.addf %gather3A_172, %gather3A_167 : vector<16xf32>
        %swap3A_187 = arith.index_cast %scan3A_164 : i32 to index
        %swap3A_188 = arith.constant 32 : index
        %swap3A_189 = tpu.vector_load %arg9[%swap3A_187, %swap3A_188] {strides = array<i32>} : memref<64x128xf32, #tpu.memory_space<vmem>>, vector<16xf32>,
        tpu.vector_store %arg9[%swap3A_187, %swap3A_188], %add3A_186 {strides = array<i32>} : memref<64x128xf32, #tpu.memory_space<vmem>>, vector<16xf32>,
        %add3A_190 = arith.addf %gather3A_173, %gather3A_167 : vector<16xf32>
        %swap3A_191 = arith.index_cast %scan3A_164 : i32 to index
        %swap3A_192 = arith.constant 48 : index
        %swap3A_193 = tpu.vector_load %arg9[%swap3A_191, %swap3A_192] {strides = array<i32>} : memref<64x128xf32, #tpu.memory_space<vmem>>, vector<16xf32>,
        tpu.vector_store %arg9[%swap3A_191, %swap3A_192], %add3A_190 {strides = array<i32>} : memref<64x128xf32, #tpu.memory_space<vmem>>, vector<16xf32>,
        %add3A_194 = arith.addf %gather3A_174, %gather3A_167 : vector<16xf32>
        %swap3A_195 = arith.index_cast %scan3A_164 : i32 to index
        %swap3A_196 = arith.constant 64 : index
        %swap3A_197 = tpu.vector_load %arg9[%swap3A_195, %swap3A_196] {strides = array<i32>} : memref<64x128xf32, #tpu.memory_space<vmem>>, vector<16xf32>,
        tpu.vector_store %arg9[%swap3A_195, %swap3A_196], %add3A_194 {strides = array<i32>} : memref<64x128xf32, #tpu.memory_space<vmem>>, vector<16xf32>,
        %add3A_198 = arith.addf %gather3A_175, %gather3A_167 : vector<16xf32>
        %swap3A_199 = arith.index_cast %scan3A_164 : i32 to index
        %swap3A_200 = arith.constant 80 : index
        %swap3A_201 = tpu.vector_load %arg9[%swap3A_199, %swap3A_200] {strides = array<i32>} : memref<64x128xf32, #tpu.memory_space<vmem>>, vector<16xf32>,
        tpu.vector_store %arg9[%swap3A_199, %swap3A_200], %add3A_198 {strides = array<i32>} : memref<64x128xf32, #tpu.memory_space<vmem>>, vector<16xf32>,
        %add3A_202 = arith.addf %gather3A_176, %gather3A_167 : vector<16xf32>
        %swap3A_203 = arith.index_cast %scan3A_164 : i32 to index
        %swap3A_204 = arith.constant 96 : index
        %swap3A_205 = tpu.vector_load %arg9[%swap3A_203, %swap3A_204] {strides = array<i32>} : memref<64x128xf32, #tpu.memory_space<vmem>>, vector<16xf32>,
        tpu.vector_store %arg9[%swap3A_203, %swap3A_204], %add3A_202 {strides = array<i32>} : memref<64x128xf32, #tpu.memory_space<vmem>>, vector<16xf32>,
        %add3A_206 = arith.addf %gather3A_177, %gather3A_167 : vector<16xf32>
        %swap3A_207 = arith.index_cast %scan3A_164 : i32 to index
        %swap3A_208 = arith.constant 112 : index
        %swap3A_209 = tpu.vector_load %arg9[%swap3A_207, %swap3A_208] {strides = array<i32>} : memref<64x128xf32, #tpu.memory_space<vmem>>, vector<16xf32>,
        tpu.vector_store %arg9[%swap3A_207, %swap3A_208], %add3A_206 {strides = array<i32>} : memref<64x128xf32, #tpu.memory_space<vmem>>, vector<16xf32>,
        %scan3A_210 = arith.constant 0 : i32
        scf.yield %scan3A_210 : i32
      }
      %scan3A_64 = arith.constant 64 : i32
      %dma_start3A = arith.constant 0 : i32
      %dma_start3A_65 = tpu.memref_slice %arg5[%mul3A_25, %dma_start3A, %mul3A_2] : memref<200x64x4096xf32, #tpu.memory_space<hbm>> -> memref<1x64x128xf32, #tpu.memory_space<hbm>>
      %dma_start3A_66 = tpu.memref_squeeze %dma_start3A_65 : memref<1x64x128xf32, #tpu.memory_space<hbm>> -> memref<64x128xf32, #tpu.memory_space<hbm>>
      %dma_start3A_67 = arith.constant 0 : i32
      %dma_start3A_68 = tpu.memref_slice %arg5[%mul3A_25, %dma_start3A_67, %mul3A_2] : memref<200x64x4096xf32, #tpu.memory_space<hbm>> -> memref<1x64x128xf32, #tpu.memory_space<hbm>>
      %dma_start3A_69 = tpu.memref_squeeze %dma_start3A_68 : memref<1x64x128xf32, #tpu.memory_space<hbm>> -> memref<64x128xf32, #tpu.memory_space<hbm>>
      tpu.enqueue_dma source(%arg9 : memref<64x128xf32, #tpu.memory_space<vmem>>) target(%dma_start3A_69 : memref<64x128xf32, #tpu.memory_space<hbm>>) target_semaphore(%arg11 : memref<!tpu.dma_semaphore, #tpu.memory_space<semaphore_mem>>)
      %gt3A_70 = arith.constant 0 : i32
      %gt3A_71 = arith.cmpi sgt, %scan3A_22, %gt3A_70 : i32
      %convert_element_type3A_72 = arith.extui %gt3A_71 : i1 to i32
      %cond3A_73 = arith.constant 0 : i32
      %cond3A_74 = arith.cmpi ne, %convert_element_type3A_72, %cond3A_73 : i32
      scf.if %cond3A_74 {
        %sub3A = arith.constant 2 : i32
        %sub3A_117 = arith.subi %add3A_29, %sub3A : i32
        %dma_wait3A_118 = arith.constant 0 : i32
        %dma_wait3A_119 = tpu.memref_slice %arg5[%sub3A_117, %dma_wait3A_118, %mul3A_2] : memref<200x64x4096xf32, #tpu.memory_space<hbm>> -> memref<1x64x128xf32, #tpu.memory_space<hbm>>
        %dma_wait3A_120 = tpu.memref_squeeze %dma_wait3A_119 : memref<1x64x128xf32, #tpu.memory_space<hbm>> -> memref<64x128xf32, #tpu.memory_space<hbm>>
        %dma_wait3A_121 = arith.constant 0 : i32
        %dma_wait3A_122 = tpu.memref_slice %arg5[%sub3A_117, %dma_wait3A_121, %mul3A_2] : memref<200x64x4096xf32, #tpu.memory_space<hbm>> -> memref<1x64x128xf32, #tpu.memory_space<hbm>>
        %dma_wait3A_123 = tpu.memref_squeeze %dma_wait3A_122 : memref<1x64x128xf32, #tpu.memory_space<hbm>> -> memref<64x128xf32, #tpu.memory_space<hbm>>
        tpu.wait_dma2 semaphore(%arg12 : memref<!tpu.dma_semaphore, #tpu.memory_space<semaphore_mem>>) src(%arg10 : memref<64x128xf32, #tpu.memory_space<vmem>>) dst(%dma_wait3A_123 : memref<64x128xf32, #tpu.memory_space<hbm>>)
      } else {
      }
      %get3A_75 = arith.index_cast %add3A_29 : i32 to index
      %get3A_76 = arith.constant 0 : index
      %get3A_77 = tpu.vector_load %arg8[%get3A_75, %get3A_76] {strides = array<i32>} : memref<200x128xi32, #tpu.memory_space<vmem>>, vector<16xi32>,
      %get3A_78 = arith.index_cast %add3A_29 : i32 to index
      %get3A_79 = arith.constant 16 : index
      %get3A_80 = tpu.vector_load %arg8[%get3A_78, %get3A_79] {strides = array<i32>} : memref<200x128xi32, #tpu.memory_space<vmem>>, vector<16xi32>,
      %get3A_81 = arith.index_cast %add3A_29 : i32 to index
      %get3A_82 = arith.constant 32 : index
      %get3A_83 = tpu.vector_load %arg8[%get3A_81, %get3A_82] {strides = array<i32>} : memref<200x128xi32, #tpu.memory_space<vmem>>, vector<16xi32>,
      %get3A_84 = arith.index_cast %add3A_29 : i32 to index
      %get3A_85 = arith.constant 48 : index
      %get3A_86 = tpu.vector_load %arg8[%get3A_84, %get3A_85] {strides = array<i32>} : memref<200x128xi32, #tpu.memory_space<vmem>>, vector<16xi32>,
      %get3A_87 = arith.index_cast %add3A_29 : i32 to index
      %get3A_88 = arith.constant 64 : index
      %get3A_89 = tpu.vector_load %arg8[%get3A_87, %get3A_88] {strides = array<i32>} : memref<200x128xi32, #tpu.memory_space<vmem>>, vector<16xi32>,
      %get3A_90 = arith.index_cast %add3A_29 : i32 to index
      %get3A_91 = arith.constant 80 : index
      %get3A_92 = tpu.vector_load %arg8[%get3A_90, %get3A_91] {strides = array<i32>} : memref<200x128xi32, #tpu.memory_space<vmem>>, vector<16xi32>,
      %get3A_93 = arith.index_cast %add3A_29 : i32 to index
      %get3A_94 = arith.constant 96 : index
      %get3A_95 = tpu.vector_load %arg8[%get3A_93, %get3A_94] {strides = array<i32>} : memref<200x128xi32, #tpu.memory_space<vmem>>, vector<16xi32>,
      %get3A_96 = arith.index_cast %add3A_29 : i32 to index
      %get3A_97 = arith.constant 112 : index
      %get3A_98 = tpu.vector_load %arg8[%get3A_96, %get3A_97] {strides = array<i32>} : memref<200x128xi32, #tpu.memory_space<vmem>>, vector<16xi32>,
      %broadcast_in_dim3A_99 = arith.constant 0 : i32
      %broadcast_in_dim3A_100 = vector.broadcast %broadcast_in_dim3A_99 : i32 to vector<16xi32>
      %add3A_101 = vector.broadcast %add3A_29 : i32 to vector<16xi32>
      %add3A_102 = arith.addi %broadcast_in_dim3A_100, %add3A_101 : vector<16xi32>
      %scan3A_103 = arith.constant 0 : i32
      %scan3A_104 = arith.constant 0 : i32
      %scan3A_105 = arith.constant 64 : i32
      %scan3A_106 = arith.addi %scan3A_104, %scan3A_105 : i32
      %scan3A_107 = arith.constant 2 : i32
      %scan3A_108 = scf.for %scan3A_117 = %scan3A_104 to %scan3A_106 step %scan3A_107 iter_args(%scan3A_118 = %scan3A_103) -> (i32)  : i32 {
        %add3A_119 = vector.broadcast %scan3A_117 : i32 to vector<16xi32>
        %add3A_120 = arith.addi %broadcast_in_dim3A_100, %add3A_119 : vector<16xi32>
        %gather3A = tpu.vector_load_idx %arg7[%add3A_102, %add3A_120] : memref<200x64xf32, #tpu.memory_space<vmem>>[vector<16xi32>, vector<16xi32>], vector<16xf32>,
        %add3A_121 = vector.broadcast %scan3A_117 : i32 to vector<16xi32>
        %add3A_122 = arith.addi %broadcast_in_dim3A_100, %add3A_121 : vector<16xi32>
        %gather3A_123 = tpu.vector_load_idx %arg6[%add3A_122, %get3A_77] : memref<64x200xf32, #tpu.memory_space<vmem>>[vector<16xi32>, vector<16xi32>], vector<16xf32>,
        %gather3A_124 = tpu.vector_load_idx %arg6[%add3A_122, %get3A_80] : memref<64x200xf32, #tpu.memory_space<vmem>>[vector<16xi32>, vector<16xi32>], vector<16xf32>,
        %gather3A_125 = tpu.vector_load_idx %arg6[%add3A_122, %get3A_83] : memref<64x200xf32, #tpu.memory_space<vmem>>[vector<16xi32>, vector<16xi32>], vector<16xf32>,
        %gather3A_126 = tpu.vector_load_idx %arg6[%add3A_122, %get3A_86] : memref<64x200xf32, #tpu.memory_space<vmem>>[vector<16xi32>, vector<16xi32>], vector<16xf32>,
        %gather3A_127 = tpu.vector_load_idx %arg6[%add3A_122, %get3A_89] : memref<64x200xf32, #tpu.memory_space<vmem>>[vector<16xi32>, vector<16xi32>], vector<16xf32>,
        %gather3A_128 = tpu.vector_load_idx %arg6[%add3A_122, %get3A_92] : memref<64x200xf32, #tpu.memory_space<vmem>>[vector<16xi32>, vector<16xi32>], vector<16xf32>,
        %gather3A_129 = tpu.vector_load_idx %arg6[%add3A_122, %get3A_95] : memref<64x200xf32, #tpu.memory_space<vmem>>[vector<16xi32>, vector<16xi32>], vector<16xf32>,
        %gather3A_130 = tpu.vector_load_idx %arg6[%add3A_122, %get3A_98] : memref<64x200xf32, #tpu.memory_space<vmem>>[vector<16xi32>, vector<16xi32>], vector<16xf32>,
        %add3A_131 = arith.addf %gather3A_123, %gather3A : vector<16xf32>
        %swap3A = arith.index_cast %scan3A_117 : i32 to index
        %swap3A_132 = arith.constant 0 : index
        %swap3A_133 = tpu.vector_load %arg10[%swap3A, %swap3A_132] {strides = array<i32>} : memref<64x128xf32, #tpu.memory_space<vmem>>, vector<16xf32>,
        tpu.vector_store %arg10[%swap3A, %swap3A_132], %add3A_131 {strides = array<i32>} : memref<64x128xf32, #tpu.memory_space<vmem>>, vector<16xf32>,
        %add3A_134 = arith.addf %gather3A_124, %gather3A : vector<16xf32>
        %swap3A_135 = arith.index_cast %scan3A_117 : i32 to index
        %swap3A_136 = arith.constant 16 : index
        %swap3A_137 = tpu.vector_load %arg10[%swap3A_135, %swap3A_136] {strides = array<i32>} : memref<64x128xf32, #tpu.memory_space<vmem>>, vector<16xf32>,
        tpu.vector_store %arg10[%swap3A_135, %swap3A_136], %add3A_134 {strides = array<i32>} : memref<64x128xf32, #tpu.memory_space<vmem>>, vector<16xf32>,
        %add3A_138 = arith.addf %gather3A_125, %gather3A : vector<16xf32>
        %swap3A_139 = arith.index_cast %scan3A_117 : i32 to index
        %swap3A_140 = arith.constant 32 : index
        %swap3A_141 = tpu.vector_load %arg10[%swap3A_139, %swap3A_140] {strides = array<i32>} : memref<64x128xf32, #tpu.memory_space<vmem>>, vector<16xf32>,
        tpu.vector_store %arg10[%swap3A_139, %swap3A_140], %add3A_138 {strides = array<i32>} : memref<64x128xf32, #tpu.memory_space<vmem>>, vector<16xf32>,
        %add3A_142 = arith.addf %gather3A_126, %gather3A : vector<16xf32>
        %swap3A_143 = arith.index_cast %scan3A_117 : i32 to index
        %swap3A_144 = arith.constant 48 : index
        %swap3A_145 = tpu.vector_load %arg10[%swap3A_143, %swap3A_144] {strides = array<i32>} : memref<64x128xf32, #tpu.memory_space<vmem>>, vector<16xf32>,
        tpu.vector_store %arg10[%swap3A_143, %swap3A_144], %add3A_142 {strides = array<i32>} : memref<64x128xf32, #tpu.memory_space<vmem>>, vector<16xf32>,
        %add3A_146 = arith.addf %gather3A_127, %gather3A : vector<16xf32>
        %swap3A_147 = arith.index_cast %scan3A_117 : i32 to index
        %swap3A_148 = arith.constant 64 : index
        %swap3A_149 = tpu.vector_load %arg10[%swap3A_147, %swap3A_148] {strides = array<i32>} : memref<64x128xf32, #tpu.memory_space<vmem>>, vector<16xf32>,
        tpu.vector_store %arg10[%swap3A_147, %swap3A_148], %add3A_146 {strides = array<i32>} : memref<64x128xf32, #tpu.memory_space<vmem>>, vector<16xf32>,
        %add3A_150 = arith.addf %gather3A_128, %gather3A : vector<16xf32>
        %swap3A_151 = arith.index_cast %scan3A_117 : i32 to index
        %swap3A_152 = arith.constant 80 : index
        %swap3A_153 = tpu.vector_load %arg10[%swap3A_151, %swap3A_152] {strides = array<i32>} : memref<64x128xf32, #tpu.memory_space<vmem>>, vector<16xf32>,
        tpu.vector_store %arg10[%swap3A_151, %swap3A_152], %add3A_150 {strides = array<i32>} : memref<64x128xf32, #tpu.memory_space<vmem>>, vector<16xf32>,
        %add3A_154 = arith.addf %gather3A_129, %gather3A : vector<16xf32>
        %swap3A_155 = arith.index_cast %scan3A_117 : i32 to index
        %swap3A_156 = arith.constant 96 : index
        %swap3A_157 = tpu.vector_load %arg10[%swap3A_155, %swap3A_156] {strides = array<i32>} : memref<64x128xf32, #tpu.memory_space<vmem>>, vector<16xf32>,
        tpu.vector_store %arg10[%swap3A_155, %swap3A_156], %add3A_154 {strides = array<i32>} : memref<64x128xf32, #tpu.memory_space<vmem>>, vector<16xf32>,
        %add3A_158 = arith.addf %gather3A_130, %gather3A : vector<16xf32>
        %swap3A_159 = arith.index_cast %scan3A_117 : i32 to index
        %swap3A_160 = arith.constant 112 : index
        %swap3A_161 = tpu.vector_load %arg10[%swap3A_159, %swap3A_160] {strides = array<i32>} : memref<64x128xf32, #tpu.memory_space<vmem>>, vector<16xf32>,
        tpu.vector_store %arg10[%swap3A_159, %swap3A_160], %add3A_158 {strides = array<i32>} : memref<64x128xf32, #tpu.memory_space<vmem>>, vector<16xf32>,
        %scan3A_162 = arith.constant 0 : i32
        %scan3A_163 = arith.constant 1 : i32
        %scan3A_164 = arith.addi %scan3A_117, %scan3A_163 : i32
        %add3A_165 = vector.broadcast %scan3A_164 : i32 to vector<16xi32>
        %add3A_166 = arith.addi %broadcast_in_dim3A_100, %add3A_165 : vector<16xi32>
        %gather3A_167 = tpu.vector_load_idx %arg7[%add3A_102, %add3A_166] : memref<200x64xf32, #tpu.memory_space<vmem>>[vector<16xi32>, vector<16xi32>], vector<16xf32>,
        %add3A_168 = vector.broadcast %scan3A_164 : i32 to vector<16xi32>
        %add3A_169 = arith.addi %broadcast_in_dim3A_100, %add3A_168 : vector<16xi32>
        %gather3A_170 = tpu.vector_load_idx %arg6[%add3A_169, %get3A_77] : memref<64x200xf32, #tpu.memory_space<vmem>>[vector<16xi32>, vector<16xi32>], vector<16xf32>,
        %gather3A_171 = tpu.vector_load_idx %arg6[%add3A_169, %get3A_80] : memref<64x200xf32, #tpu.memory_space<vmem>>[vector<16xi32>, vector<16xi32>], vector<16xf32>,
        %gather3A_172 = tpu.vector_load_idx %arg6[%add3A_169, %get3A_83] : memref<64x200xf32, #tpu.memory_space<vmem>>[vector<16xi32>, vector<16xi32>], vector<16xf32>,
        %gather3A_173 = tpu.vector_load_idx %arg6[%add3A_169, %get3A_86] : memref<64x200xf32, #tpu.memory_space<vmem>>[vector<16xi32>, vector<16xi32>], vector<16xf32>,
        %gather3A_174 = tpu.vector_load_idx %arg6[%add3A_169, %get3A_89] : memref<64x200xf32, #tpu.memory_space<vmem>>[vector<16xi32>, vector<16xi32>], vector<16xf32>,
        %gather3A_175 = tpu.vector_load_idx %arg6[%add3A_169, %get3A_92] : memref<64x200xf32, #tpu.memory_space<vmem>>[vector<16xi32>, vector<16xi32>], vector<16xf32>,
        %gather3A_176 = tpu.vector_load_idx %arg6[%add3A_169, %get3A_95] : memref<64x200xf32, #tpu.memory_space<vmem>>[vector<16xi32>, vector<16xi32>], vector<16xf32>,
        %gather3A_177 = tpu.vector_load_idx %arg6[%add3A_169, %get3A_98] : memref<64x200xf32, #tpu.memory_space<vmem>>[vector<16xi32>, vector<16xi32>], vector<16xf32>,
        %add3A_178 = arith.addf %gather3A_170, %gather3A_167 : vector<16xf32>
        %swap3A_179 = arith.index_cast %scan3A_164 : i32 to index
        %swap3A_180 = arith.constant 0 : index
        %swap3A_181 = tpu.vector_load %arg10[%swap3A_179, %swap3A_180] {strides = array<i32>} : memref<64x128xf32, #tpu.memory_space<vmem>>, vector<16xf32>,
        tpu.vector_store %arg10[%swap3A_179, %swap3A_180], %add3A_178 {strides = array<i32>} : memref<64x128xf32, #tpu.memory_space<vmem>>, vector<16xf32>,
        %add3A_182 = arith.addf %gather3A_171, %gather3A_167 : vector<16xf32>
        %swap3A_183 = arith.index_cast %scan3A_164 : i32 to index
        %swap3A_184 = arith.constant 16 : index
        %swap3A_185 = tpu.vector_load %arg10[%swap3A_183, %swap3A_184] {strides = array<i32>} : memref<64x128xf32, #tpu.memory_space<vmem>>, vector<16xf32>,
        tpu.vector_store %arg10[%swap3A_183, %swap3A_184], %add3A_182 {strides = array<i32>} : memref<64x128xf32, #tpu.memory_space<vmem>>, vector<16xf32>,
        %add3A_186 = arith.addf %gather3A_172, %gather3A_167 : vector<16xf32>
        %swap3A_187 = arith.index_cast %scan3A_164 : i32 to index
        %swap3A_188 = arith.constant 32 : index
        %swap3A_189 = tpu.vector_load %arg10[%swap3A_187, %swap3A_188] {strides = array<i32>} : memref<64x128xf32, #tpu.memory_space<vmem>>, vector<16xf32>,
        tpu.vector_store %arg10[%swap3A_187, %swap3A_188], %add3A_186 {strides = array<i32>} : memref<64x128xf32, #tpu.memory_space<vmem>>, vector<16xf32>,
        %add3A_190 = arith.addf %gather3A_173, %gather3A_167 : vector<16xf32>
        %swap3A_191 = arith.index_cast %scan3A_164 : i32 to index
        %swap3A_192 = arith.constant 48 : index
        %swap3A_193 = tpu.vector_load %arg10[%swap3A_191, %swap3A_192] {strides = array<i32>} : memref<64x128xf32, #tpu.memory_space<vmem>>, vector<16xf32>,
        tpu.vector_store %arg10[%swap3A_191, %swap3A_192], %add3A_190 {strides = array<i32>} : memref<64x128xf32, #tpu.memory_space<vmem>>, vector<16xf32>,
        %add3A_194 = arith.addf %gather3A_174, %gather3A_167 : vector<16xf32>
        %swap3A_195 = arith.index_cast %scan3A_164 : i32 to index
        %swap3A_196 = arith.constant 64 : index
        %swap3A_197 = tpu.vector_load %arg10[%swap3A_195, %swap3A_196] {strides = array<i32>} : memref<64x128xf32, #tpu.memory_space<vmem>>, vector<16xf32>,
        tpu.vector_store %arg10[%swap3A_195, %swap3A_196], %add3A_194 {strides = array<i32>} : memref<64x128xf32, #tpu.memory_space<vmem>>, vector<16xf32>,
        %add3A_198 = arith.addf %gather3A_175, %gather3A_167 : vector<16xf32>
        %swap3A_199 = arith.index_cast %scan3A_164 : i32 to index
        %swap3A_200 = arith.constant 80 : index
        %swap3A_201 = tpu.vector_load %arg10[%swap3A_199, %swap3A_200] {strides = array<i32>} : memref<64x128xf32, #tpu.memory_space<vmem>>, vector<16xf32>,
        tpu.vector_store %arg10[%swap3A_199, %swap3A_200], %add3A_198 {strides = array<i32>} : memref<64x128xf32, #tpu.memory_space<vmem>>, vector<16xf32>,
        %add3A_202 = arith.addf %gather3A_176, %gather3A_167 : vector<16xf32>
        %swap3A_203 = arith.index_cast %scan3A_164 : i32 to index
        %swap3A_204 = arith.constant 96 : index
        %swap3A_205 = tpu.vector_load %arg10[%swap3A_203, %swap3A_204] {strides = array<i32>} : memref<64x128xf32, #tpu.memory_space<vmem>>, vector<16xf32>,
        tpu.vector_store %arg10[%swap3A_203, %swap3A_204], %add3A_202 {strides = array<i32>} : memref<64x128xf32, #tpu.memory_space<vmem>>, vector<16xf32>,
        %add3A_206 = arith.addf %gather3A_177, %gather3A_167 : vector<16xf32>
        %swap3A_207 = arith.index_cast %scan3A_164 : i32 to index
        %swap3A_208 = arith.constant 112 : index
        %swap3A_209 = tpu.vector_load %arg10[%swap3A_207, %swap3A_208] {strides = array<i32>} : memref<64x128xf32, #tpu.memory_space<vmem>>, vector<16xf32>,
        tpu.vector_store %arg10[%swap3A_207, %swap3A_208], %add3A_206 {strides = array<i32>} : memref<64x128xf32, #tpu.memory_space<vmem>>, vector<16xf32>,
        %scan3A_210 = arith.constant 0 : i32
        scf.yield %scan3A_210 : i32
      }
      %scan3A_109 = arith.constant 64 : i32
      %dma_start3A_110 = arith.constant 0 : i32
      %dma_start3A_111 = tpu.memref_slice %arg5[%add3A_29, %dma_start3A_110, %mul3A_2] : memref<200x64x4096xf32, #tpu.memory_space<hbm>> -> memref<1x64x128xf32, #tpu.memory_space<hbm>>
      %dma_start3A_112 = tpu.memref_squeeze %dma_start3A_111 : memref<1x64x128xf32, #tpu.memory_space<hbm>> -> memref<64x128xf32, #tpu.memory_space<hbm>>
      %dma_start3A_113 = arith.constant 0 : i32
      %dma_start3A_114 = tpu.memref_slice %arg5[%add3A_29, %dma_start3A_113, %mul3A_2] : memref<200x64x4096xf32, #tpu.memory_space<hbm>> -> memref<1x64x128xf32, #tpu.memory_space<hbm>>
      %dma_start3A_115 = tpu.memref_squeeze %dma_start3A_114 : memref<1x64x128xf32, #tpu.memory_space<hbm>> -> memref<64x128xf32, #tpu.memory_space<hbm>>
      tpu.enqueue_dma source(%arg10 : memref<64x128xf32, #tpu.memory_space<vmem>>) target(%dma_start3A_115 : memref<64x128xf32, #tpu.memory_space<hbm>>) target_semaphore(%arg12 : memref<!tpu.dma_semaphore, #tpu.memory_space<semaphore_mem>>)
      %scan3A_116 = arith.constant 0 : i32
      scf.yield %scan3A_116 : i32
    }
    %scan3A_8 = arith.constant 100 : i32
    %dma_wait3A = arith.constant 198 : i32
    %dma_wait3A_9 = arith.constant 0 : i32
    %dma_wait3A_10 = tpu.memref_slice %arg5[%dma_wait3A, %dma_wait3A_9, %mul3A_2] : memref<200x64x4096xf32, #tpu.memory_space<hbm>> -> memref<1x64x128xf32, #tpu.memory_space<hbm>>
    %dma_wait3A_11 = tpu.memref_squeeze %dma_wait3A_10 : memref<1x64x128xf32, #tpu.memory_space<hbm>> -> memref<64x128xf32, #tpu.memory_space<hbm>>
    %dma_wait3A_12 = arith.constant 0 : i32
    %dma_wait3A_13 = tpu.memref_slice %arg5[%dma_wait3A, %dma_wait3A_12, %mul3A_2] : memref<200x64x4096xf32, #tpu.memory_space<hbm>> -> memref<1x64x128xf32, #tpu.memory_space<hbm>>
    %dma_wait3A_14 = tpu.memref_squeeze %dma_wait3A_13 : memref<1x64x128xf32, #tpu.memory_space<hbm>> -> memref<64x128xf32, #tpu.memory_space<hbm>>
    tpu.wait_dma2 semaphore(%arg11 : memref<!tpu.dma_semaphore, #tpu.memory_space<semaphore_mem>>) src(%arg9 : memref<64x128xf32, #tpu.memory_space<vmem>>) dst(%dma_wait3A_14 : memref<64x128xf32, #tpu.memory_space<hbm>>)
    %dma_wait3A_15 = arith.constant 199 : i32
    %dma_wait3A_16 = arith.constant 0 : i32
    %dma_wait3A_17 = tpu.memref_slice %arg5[%dma_wait3A_15, %dma_wait3A_16, %mul3A_2] : memref<200x64x4096xf32, #tpu.memory_space<hbm>> -> memref<1x64x128xf32, #tpu.memory_space<hbm>>
    %dma_wait3A_18 = tpu.memref_squeeze %dma_wait3A_17 : memref<1x64x128xf32, #tpu.memory_space<hbm>> -> memref<64x128xf32, #tpu.memory_space<hbm>>
    %dma_wait3A_19 = arith.constant 0 : i32
    %dma_wait3A_20 = tpu.memref_slice %arg5[%dma_wait3A_15, %dma_wait3A_19, %mul3A_2] : memref<200x64x4096xf32, #tpu.memory_space<hbm>> -> memref<1x64x128xf32, #tpu.memory_space<hbm>>
    %dma_wait3A_21 = tpu.memref_squeeze %dma_wait3A_20 : memref<1x64x128xf32, #tpu.memory_space<hbm>> -> memref<64x128xf32, #tpu.memory_space<hbm>>
    tpu.wait_dma2 semaphore(%arg12 : memref<!tpu.dma_semaphore, #tpu.memory_space<semaphore_mem>>) src(%arg10 : memref<64x128xf32, #tpu.memory_space<vmem>>) dst(%dma_wait3A_21 : memref<64x128xf32, #tpu.memory_space<hbm>>)
    return
  }
}

</mosaic_0001>

<sc_bundles>
// kernel: _embed.3.cloned.1.call-start
scs
__scs_entry_jumppad:
0x0: {  	(pc) =	sbr.rel $0x88, $3  }
0x1: {  	(tag) =	ssettag $0x0;
	lr =	simm.s32 $0x1  }
0x2: {  	[smem:$0x3F9E] =	sst lr;
	_ =	strace $0xD0000000  }
0x3: {  	_ = 	snop  }
0x4: {  	_ = 	snop  }
0x5: {  	_ = 	snop  }
0x6: {  	_ = 	snop  }
0x7: {  	_ = 	snop  }
__scs_overlays_trampoline_lowered:
0x8: {  	[smem:$0x3FAD] =	sst s0  }
0x9: {  	[smem:$0x3FAE] =	sst s1  }
0xa: {  	[smem:$0x3FAF] =	sst s2  }
0xb: {  	[smem:$0x3FB0] =	sst s3  }
0xc: {  	[smem:$0x3FB1] =	sst s4  }
0xd: {  	[smem:$0x3FB2] =	sst s5  }
0xe: {  	[smem:$0x3FB3] =	sst s6  }
0xf: {  	[smem:$0x3FB4] =	sst s7  }
0x10: {  	[smem:$0x3FB5] =	sst s8  }
0x11: {  	[smem:$0x3FB6] =	sst s9;
	s0 =	simm.s32 @!p0 $0x0  }
0x12: {  	s1 =	sld [smem:$0x3F9C];
	s0 =	simm.s32 @p0 $0x1  }
0x13: {  	[smem:$0x3FB7] =	sst s0;
	s0 =	simm.s32 @!p1 $0x0  }
0x14: {  	s2 =	sld [smem:$0x3F9B];
	s0 =	simm.s32 @p1 $0x1  }
0x15: {  	[smem:$0x3FB8] =	sst s0;
	s0 =	simm.s32 @!p2 $0x0  }
0x16: {  	s3 =	sld [smem:$0x3FDB];
	s0 =	simm.s32 @p2 $0x1  }
0x17: {  	s4 =	simm.s32 $0x1BF5;
	[smem:$0x3FBA] =	sst s0  }
0x18: {  	s0 =	sld [smem:$0x3F9D];
	_ =	swait.ge [sflag:s4], $0x0  }
0x19: {  	s7 =	sld [smem:$0x3F9E]  }
0x1a: {  	s8 =	sadd.s32 $0xFFFFE003, lr  }
0x1b: {  	s9 =	sadd.s32 $0xFFFFFEF7, lr;
	s5 =	simm.s32 $0xFFFFFFFF;
	p2 =	slt.u32 s8, $0xFFFFF086  }
0x1c: {  	p1 =	slt.u32 s9, $0xF7A;
	s5 =	simm.s32 @!p2 $0x0  }
0x1d: {  	s5 =	simm.s32 @p1 $0x1;
	p0 =	seq.s32 s7, s2  }
0x1e: {  	s7 =	smul.u32 @!p0 $0xF7A, s2;
	p2 =	seq.s32 @!p0 s5, $0x0  }
0x1f: {  	s9 =	smul.u32 $0xF7A, s1;
	s8 =	simm.s32 @!p0 $0x1BF5;
	p2 =	por !p2, p0  }
0x20: {  	[sflag:s8] =	ssyncset.s32 @!p0 $0xFFFFF086;
	s6 =	sadd.s32 @!p0 s3, s7;
	s7 =	simm.s32 @!p0 $0x108  }
0x21: {  	s3 =	sadd.s32 s3, s9;
	s6 =	sadd.s32 @!p0 $0x88, s6;
	s7 =	simm.s32 @p2 $0x1082  }
0x22: {  	[simem:s7], [sflag:s8] =	dma.local @!p0 [hbm:s6], $0xF7A  }
0x23: {  	s9 =	sor.u32 $0xD0000000, s2;
	s6 =	simm.s32 $0x108;
	_ =	swait.ge @!p0 [sflag:s8], $0x0  }
0x24: {  	s3 =	sadd.s32 $0x88, s3;
	s6 =	simm.s32 @!p1 $0x1082;
	[sflag:s4] =	ssyncset.s32 $0xFFFFF086  }
0x25: {  	[simem:s6], [sflag:s4] =	dma.local [hbm:s3], $0xF7A  }
0x26: {  	[smem:$0x3F9E] =	sst s1;
	(tag) =	ssettag s2;
	_ =	strace s9  }
0x27: {  	s1 =	sld [smem:$0x3FAE]  }
0x28: {  	s2 =	sld [smem:$0x3FAF]  }
0x29: {  	s4 =	sld [smem:$0x3FB1]  }
0x2a: {  	p0 =	seq.s32 s5, $0x0;
	s5 =	sld [smem:$0x3FB2]  }
0x2b: {  	s6 =	sld [smem:$0x3FB3]  }
0x2c: {  	s7 =	sld [smem:$0x3FB4]  }
0x2d: {  	s3 =	simm.s32 $0x108;
	s8 =	sld [smem:$0x3FB5]  }
0x2e: {  	s3 =	simm.s32 @!p0 $0x1082;
	s9 =	sld [smem:$0x3FB6]  }
0x2f: {  	lr =	sadd.s32 s0, s3;
	s0 =	sld [smem:$0x3FAD]  }
0x30: {  	s3 =	sld [smem:$0x3FB0]  }
0x31: {  	[smem:$0x3FB9] =	sst s10  }
0x32: {  	s10 =	sld [smem:$0x3FB7];
	_ =	sdelay $0x3  }
0x33: {  	p0 =	seq.s32 s10, $0x1;
	s10 =	sld [smem:$0x3FB9];
	_ =	sdelay $0x3  }
0x34: {  	[smem:$0x3FB9] =	sst s10  }
0x35: {  	s10 =	sld [smem:$0x3FB8];
	_ =	sdelay $0x3  }
0x36: {  	p1 =	seq.s32 s10, $0x1;
	s10 =	sld [smem:$0x3FB9];
	_ =	sdelay $0x3  }
0x37: {  	[smem:$0x3FB9] =	sst s10  }
0x38: {  	s10 =	sld [smem:$0x3FBA]  }
0x39: {  	_ = 	snop;
	(pc) =	sbr.ind lr, $3  }
0x3a: {  	_ = 	snop  }
0x3b: {  	_ = 	snop  }
0x3c: {  	p2 =	seq.s32 s10, $0x1;
	s10 =	sld [smem:$0x3FB9]  }
0x3d: {  	_ =	shalt  }
0x3e: {  	_ =	shalt  }
0x3f: {  	_ =	shalt  }
0x40: {  	_ =	shalt  }
0x41: {  	_ =	shalt  }
0x42: {  	_ =	shalt  }
0x43: {  	_ =	shalt  }
0x44: {  	_ =	shalt  }
0x45: {  	_ =	shalt  }
0x46: {  	_ =	shalt  }
0x47: {  	_ =	shalt  }
0x48: {  	_ =	shalt  }
0x49: {  	_ =	shalt  }
0x4a: {  	_ =	shalt  }
0x4b: {  	_ =	shalt  }
0x4c: {  	_ =	shalt  }
0x4d: {  	_ =	shalt  }
0x4e: {  	_ =	shalt  }
0x4f: {  	_ =	shalt  }
0x50: {  	_ =	shalt  }
0x51: {  	_ =	shalt  }
0x52: {  	_ =	shalt  }
0x53: {  	_ =	shalt  }
0x54: {  	_ =	shalt  }
0x55: {  	_ =	shalt  }
0x56: {  	_ =	shalt  }
0x57: {  	_ =	shalt  }
0x58: {  	_ =	shalt  }
0x59: {  	_ =	shalt  }
0x5a: {  	_ =	shalt  }
0x5b: {  	_ =	shalt  }
0x5c: {  	_ =	shalt  }
0x5d: {  	_ =	shalt  }
0x5e: {  	_ =	shalt  }
0x5f: {  	_ =	shalt  }
0x60: {  	_ =	shalt  }
0x61: {  	_ =	shalt  }
0x62: {  	_ =	shalt  }
0x63: {  	_ =	shalt  }
0x64: {  	_ =	shalt  }
0x65: {  	_ =	shalt  }
0x66: {  	_ =	shalt  }
0x67: {  	_ =	shalt  }
0x68: {  	_ =	shalt  }
0x69: {  	_ =	shalt  }
0x6a: {  	_ =	shalt  }
0x6b: {  	_ =	shalt  }
0x6c: {  	_ =	shalt  }
0x6d: {  	_ =	shalt  }
0x6e: {  	_ =	shalt  }
0x6f: {  	_ =	shalt  }
0x70: {  	_ =	shalt  }
0x71: {  	_ =	shalt  }
0x72: {  	_ =	shalt  }
0x73: {  	_ =	shalt  }
0x74: {  	_ =	shalt  }
0x75: {  	_ =	shalt  }
0x76: {  	_ =	shalt  }
0x77: {  	_ =	shalt  }
0x78: {  	_ =	shalt  }
0x79: {  	_ =	shalt  }
0x7a: {  	_ =	shalt  }
0x7b: {  	_ =	shalt  }
0x7c: {  	_ =	shalt  }
0x7d: {  	_ =	shalt  }
0x7e: {  	_ =	shalt  }
0x7f: {  	_ =	shalt  }
0x80: {  	_ =	shalt  }
0x81: {  	_ =	shalt  }
0x82: {  	_ =	shalt  }
0x83: {  	_ =	shalt  }
0x84: {  	_ =	shalt  }
0x85: {  	_ =	shalt  }
0x86: {  	_ =	shalt  }
0x87: {  	_ =	shalt  }
.Lfunc_end0:
.L_simem_size_0:
called_computation_lowered:
.L_overlay_start_0:
0x88: {  	s2 =	sld [smem:$0x3FD9]  }
0x89: {  	s3 =	sld [smem:$0x3FFE];
	_ =	sdelay $0x1  }
0x8a: {  	s1 =	srdreg.scid  }
0x8b: {  	s0 =	sand.u32 $0x1, s1  }
0x8c: {  	s17 =	sshll.u32 s0, $0xA;
	s2 =	sadd.s32 s3, s2  }
0x8d: {  	s2 =	sadd.s32 s2, s17  }
0x8e: {  	[smem:$0x3FC5] =	sst s2  }
0x8f: {  	_ = 	snop  }
0x90: {  	s2 =	sld [smem:$0x3FC9]  }
0x91: {  	s18 =	sld [smem:$0x3FC8]  }
0x92: {  	s4 =	sld [smem:$0x3FD0];
	(tm) =	ssettm $0x1  }
0x93: {  	s5 =	sld [smem:$0x3FFB];
	_ =	sdelay $0x3  }
0x94: {  	_ =	strace s5  }
0x95: {  	s5 =	sld [smem:$0x3FFC];
	_ =	sdelay $0x3  }
0x96: {  	_ =	strace s5  }
0x97: {  	s5 =	sld [smem:$0x3FFD];
	_ =	sdelay $0x3  }
0x98: {  	_ =	strace s5  }
0x99: {  	_ =	strace $0x8FFFFFFF  }
0x9a: {  	s19 =	sld [smem:$0x3FDB];
	_ =	sdelay $0x1  }
0x9b: {  	s6 =	simm.s32 $_scs_section_size  }
0x9c: {  	s7 =	simm.s32 $_size__tile_overlayer_lowered;
	s8 =	simm.s32 $_tile_overlayer_lowered  }
0x9d: {  	s22 =	simm.s32 $0x1BFF;
	s21 =	sshll.u32 s8, $0x1;
	s5 =	sadd.s32 s6, s19  }
0x9e: {  	s9 =	simm.s32 $0x0;
	s20 =	sshll.u32 s7, $0x1;
	s7 =	sadd.s32 s21, s5  }
0x9f: {  	[timem:s9], [sflag:s22] =	dma.local [hbm:s7], s20  }
0xa0: {  	_ =	swait.ge [sflag:s22], s20  }
0xa1: {  	s6 =	ssub.s32 $0x0, s20;
	[sflag:s22] =	ssyncset.done $0x0  }
0xa2: {  	[sflag:s22] =	ssyncadd.s32 s6;
	_ =	sdelay $0x1  }
0xa3: {  	s23 =	simm.s32 $0x1B8B  }
0xa4: {  	_ =	swait.ge [sflag:s23], $0x1  }
0xa5: {  	[sflag:s23] =	ssyncset.done $0x0  }
0xa6: {  	s25 =	simm.s32 $0x1B8E;
	s24 =	sld [smem:$0x3FFE];
	[sflag:s23] =	ssyncadd.s32 $0xFFFFFFFF  }
0xa7: {  	s26 =	simm.s32 $execute0_lowered;
	[smem:$0x3FD2] =	sst s25  }
0xa8: {  	s7 =	sshll.u32 s26, $0x1;
	_ =	strace $0x80000046;
	[dreg:$0x1] =	wrdreg $0xFFFFFFFF  }
0xa9: {  	s28 =	simm.s32 $_size_execute0_lowered;
	s5 =	sadd.s32 s5, s7;
	[dreg:$0x0] =	wrdreg $0x0  }
0xaa: {  	s7 =	sshll.u32 s28, $0x1;
	[dreg:$0x2] =	wrdreg s5  }
0xab: {  	[dreg:$0x3] =	wrdreg s7  }
0xac: {  	[dreg:$0x4] =	wrdreg $0xC0  }
0xad: {  	_ =	task [dreg:s9], $0x5FFFF  }
0xae: {  	[dreg:$0x1] =	wrdreg $0xFFFFFFFF  }
0xaf: {  	[dreg:$0x0] =	wrdreg $0x60  }
0xb0: {  	[dreg:$0x2] =	wrdreg s2  }
0xb1: {  	[dreg:$0x3] =	wrdreg s18  }
0xb2: {  	[dreg:$0x4] =	wrdreg s24  }
0xb3: {  	[dreg:$0x5] =	wrdreg s4  }
0xb4: {  	[dreg:$0x6] =	wrdreg $0x9  }
0xb5: {  	_ =	task.clear_ibuf [dreg:s9], $0x7FFFF;
	_ =	strace $0x90000046  }
0xb6: {  	s29 =	simm.s32 $0x9;
	_ =	strace $0x80000048  }
0xb7: {  	_ =	swait.ge [sflag:s29], $0x1  }
0xb8: {  	[sflag:s29] =	ssyncadd.s32 $0xFFFFFFFF  }
0xb9: {  	_ =	strace $0x90000048  }
0xba: {  	_ =	sfence  }
0xbb: {  	s30 =	sld [smem:$0x0];
	_ =	sdelay $0x2  }
0xbc: {  	s31 =	sshll.u32 s1, $0xD;
	s1 =	sshrl.u32 s1, $0x2  }
0xbd: {  	s3 =	sand.u32 $0x4000, s31;
	s1 =	sadd.s32 s1, s30  }
0xbe: {  	s0 =	sor.u32 s3, s0;
	s1 =	sshll.u32 s1, $0x11  }
0xbf: {  	s0 =	sor.u32 s1, s0  }
0xc0: {  	s0 =	sadd.s32 $0x8F2B, s0  }
0xc1: {  	[sflag:s0] =	ssyncadd.remote.s32 $0x1  }
0xc2: {  	_ =	sfence.sel $0xFFFF  }
0xc3: {  	[dreg:$0x0] =	wrdreg $0xFFFFFFFF;
	(pc) =	sbr.abs _section_cstart, $3  }
0xc4: {  	[dreg:$0x1] =	wrdreg $0xFFFFFFFF  }
0xc5: {  	_ =	task.clear_ibuf [dreg:s9], $0x2FFFF;
	_ =	strace $0x9FFFFFFF  }
0xc6: {  	(tm) =	ssettm $0x7FFFFFFF  }
0xc7: {  	_ =	shalt  }
tec
execute0_lowered:
.L_overlay_start_1:
0x0: {  	(tag) =	ssettag $0x1  }
0x1: {  	s7 =	rddreg [dreg:$0x0]  }
0x2: {  	s1 =	rddreg [dreg:$0x1]  }
0x3: {  	s6 =	rddreg [dreg:$0x2]  }
0x4: {  	s2 =	rddreg [dreg:$0x3]  }
0x5: {  	s0 =	rddreg [dreg:$0x4];
	s4 =	simm.s32 $0x0;
	s5 =	srdreg.scid  }
0x6: {  	s3 =	stileid.u32;
	s11 =	simm.s32 $0x400;
	s12 =	simm.s32 $0x8000  }
0x7: {  	s13 =	simm.s32 $0xA400;
	s14 =	simm.s32 $0x10800;
	s15 =	simm.s32 $0x12800  }
0x8: {  	s16 =	simm.s32 $0x1;
	s17 =	simm.s32 $0x2;
	s18 =	simm.s32 $0x0  }
0x9: {  	[smem:$0x7FF] =	sst s4;
	s5 =	sand.u32 $0x1, s5;
	s9 =	sshll.u32 s3, $0xB  }
0xa: {  	s6 =	sadd.s32 $0x400, s6;
	s8 =	ssub.s32 $0x2, s5;
	s5 =	sshll.u32 s5, $0xA  }
0xb: {  	_ =	strace $0x80000047;
	s10 =	sshrl.u32 s8, $0x1;
	s5 =	sor.u32 s5, s9  }
0xc: {  	s8 =	ssub.s32 s8, s10;
	s9 =	sshrl.u32 s5, $0x3;
	s10 =	simm.s32 $0x4000  }
0xd: {  	s7 =	sadd.s32 s7, s9;
	s8 =	smax.u32 s8, $0x1;
	s9 =	simm.s32 $0x3  }
.LBB2_1:
0xe: {  	[tilespmem:s4], [sflag:$0x3] =	stream.linear.gather [hbm4b:s1+s4], $0x4000, $0x38;
	[tilespmem:$0x14800] =	vst v63  }
0xf: {  	_ =	swait.ge [sflag:s9], $0x4000  }
0x10: {  	[sflag:s9] =	ssyncset.done $0x0  }
0x11: {  	[sflag:s9] =	ssyncadd.s32 $0xFFFFC000  }
0x12: {  	[tilespmem:s10], [sflag:$0x3] =	stream.linear.gather [hbm4b:s6+s4], $0x6400, $0x38;
	[tilespmem:$0x14800] =	vst v63  }
0x13: {  	_ =	swait.ge [sflag:s9], $0x6400  }
0x14: {  	[sflag:s9] =	ssyncset.done $0x0  }
0x15: {  	[sflag:s9] =	ssyncadd.s32 $0xFFFF9C00  }
0x16: {  	[tilespmem:s13], [sflag:$0x3] =	stream.strided.gather [hbm4b:s7+s11], $0x6400, s12, s11, $0x38;
	[tilespmem:$0x14800] =	vst v63  }
0x17: {  	_ =	swait.ge [sflag:s9], $0x6400  }
0x18: {  	[sflag:s9] =	ssyncset.done $0x0  }
0x19: {  	s19 =	simm.s32 $0x0;
	[sflag:s9] =	ssyncadd.s32 $0xFFFF9C00  }
.LBB2_2:
0x1a: {  	p0 =	seq.s32 s19, $0x0  }
0x1b: {  	s20 =	simm.s32 @!p0 $0x1  }
0x1c: {  	_ =	swait.ge @!p0 [sflag:s20], $0x2000  }
0x1d: {  	s21 =	sshll.u32 s19, $0x8;
	[sflag:s20] =	ssyncset.done @!p0 $0x0  }
0x1e: {  	s28 =	sand.u32 $0x3FFFFF00, s21;
	[sflag:s20] =	ssyncadd.s32 @!p0 $0xFFFFE000  }
0x1f: {  	v0 =	vld [tilespmem:s28+$0xA400]  }
0x20: {  	v1 =	vld [tilespmem:s28+$0xA410]  }
0x21: {  	v2 =	vld [tilespmem:s28+$0xA420]  }
0x22: {  	s29 =	sshll.u32 s19, $0x1;
	s30 =	simm.s32 $0x0;
	v16 =	vld [tilespmem:s28+$0xA460]  }
0x23: {  	s21 =	sshll.u32 s29, $0x7;
	v11 =	vmov s30;
	v5 =	vld [tilespmem:s28+$0xA430]  }
0x24: {  	v14 =	vmov s21;
	v18 =	vshll.u32 v11, $0x7;
	v6 =	vld [tilespmem:s28+$0xA440]  }
0x25: {  	v22 =	vor.u32 s30, v14;
	v10 =	vld [tilespmem:s28+$0xA450];
	v4 =	vand.u32 $0x7F, v0;
	v0 =	vshll.u32 v0, $0x3  }
0x26: {  	v3 =	vand.u32 $0x7F, v1;
	v13 =	vand.u32 $0xFFFFFC00, v0;
	v0 =	vshll.u32 v1, $0x3  }
0x27: {  	v17 =	vshll.u32 v16, $0x3;
	v9 =	vand.u32 $0xFFFFFC00, v0;
	v0 =	vshll.u32 v2, $0x3  }
0x28: {  	v12 =	vld [tilespmem:s28+$0xA470];
	v1 =	vand.u32 $0x7F, v2;
	v7 =	vand.u32 $0xFFFFFC00, v0;
	v0 =	vshll.u32 v5, $0x3  }
0x29: {  	v2 =	vand.u32 $0x7F, v5;
	v5 =	vshll.u32 v6, $0x3;
	v8 =	vand.u32 $0xFFFFFC00, v0  }
0x2a: {  	v0 =	vand.u32 $0x7F, v6;
	v6 =	vand.u32 $0xFFFFFC00, v5;
	v5 =	vshll.u32 v10, $0x3  }
0x2b: {  	v10 =	vand.u32 $0x7F, v10;
	v15 =	vand.u32 $0xFFFFFC00, v5;
	v5 =	vshll.u32 v11, $0x8  }
0x2c: {  	v11 =	vand.u32 $0xFFFFFC00, v17;
	v17 =	vand.u32 $0x300, v18;
	v19 =	vand.u32 $0x3800, v5  }
0x2d: {  	v5 =	vand.u32 $0x7F, v12;
	v12 =	vshll.u32 v12, $0x3;
	v18 =	vadd.s32 v6, v19  }
0x2e: {  	v12 =	vand.u32 $0xFFFFFC00, v12;
	v20 =	vadd.s32 v15, v19;
	v18 =	vor.u32 v17, v18  }
0x2f: {  	v25 =	vadd.s32 v9, v19;
	v20 =	vor.u32 v17, v20;
	v18 =	vor.u32 v0, v18  }
0x30: {  	v26 =	vadd.s32 v13, v19;
	v25 =	vor.u32 v17, v25;
	v20 =	vor.u32 v10, v20  }
0x31: {  	v21 =	vadd.s32 v12, v19;
	v26 =	vor.u32 v17, v26;
	v25 =	vor.u32 v3, v25  }
0x32: {  	v23 =	vadd.s32 v8, v19;
	v21 =	vor.u32 v17, v21;
	v26 =	vor.u32 v4, v26  }
0x33: {  	v22 =	vld.idx.msk [tilespmem:v22+s10+$0x0], $0xffff;
	v24 =	vadd.s32 v7, v19;
	v23 =	vor.u32 v17, v23;
	v21 =	vor.u32 v5, v21  }
0x34: {  	v24 =	vor.u32 v17, v24;
	v19 =	vadd.s32 v11, v19;
	v23 =	vor.u32 v2, v23;
	v18 =	vld.idx.msk [tilespmem:v18+s4+$0x0], $0xffff  }
0x35: {  	v16 =	vand.u32 $0x7F, v16;
	v24 =	vor.u32 v1, v24;
	v17 =	vor.u32 v17, v19;
	v19 =	vld.idx.msk [tilespmem:v20+s4+$0x0], $0xffff  }
0x36: {  	v17 =	vor.u32 v16, v17;
	v25 =	vld.idx.msk [tilespmem:v25+s4+$0x0], $0xffff  }
0x37: {  	v26 =	vld.idx.msk [tilespmem:v26+s4+$0x0], $0xffff  }
0x38: {  	v20 =	vld.idx.msk [tilespmem:v21+s4+$0x0], $0xffff  }
0x39: {  	v21 =	vld.idx.msk [tilespmem:v23+s4+$0x0], $0xffff  }
0x3a: {  	s31 =	simm.s32 $0x1;
	v23 =	vld.idx.msk [tilespmem:v24+s4+$0x0], $0xffff  }
0x3b: {  	v24 =	vmov s31;
	v17 =	vld.idx.msk [tilespmem:v17+s4+$0x0], $0xffff  }
0x3c: {  	v27 =	vor.u32 s31, v14;
	v28 =	vshll.u32 v24, $0x8;
	v19 =	vadd.f32 v19, v22  }
0x3d: {  	s21 =	simm.s32 $0x10880;
	v24 =	vshll.u32 v24, $0x7;
	v28 =	vand.u32 $0x3800, v28;
	v18 =	vadd.f32 v18, v22  }
0x3e: {  	v24 =	vand.u32 $0x380, v24;
	v26 =	vadd.f32 v26, v22;
	v20 =	vadd.f32 v20, v22;
	[tilespmem:s21+$0xFFFFFFD0] =	vst v19  }
0x3f: {  	v29 =	vadd.s32 v13, v28;
	v23 =	vadd.f32 v23, v22;
	v21 =	vadd.f32 v21, v22;
	[tilespmem:s21+$0xFFFFFFC0] =	vst v18  }
0x40: {  	v30 =	vadd.s32 v12, v28;
	v17 =	vadd.f32 v17, v22;
	v22 =	vadd.f32 v25, v22;
	[tilespmem:s21+$0xFFFFFF80] =	vst v26  }
0x41: {  	v19 =	vor.u32 v24, v29;
	v29 =	vadd.s32 v15, v28;
	v26 =	vadd.s32 v6, v28;
	[tilespmem:s21+$0xFFFFFFF0] =	vst v20  }
0x42: {  	v20 =	vor.u32 v24, v30;
	v18 =	vor.u32 v24, v29;
	[tilespmem:s21+$0xFFFFFFA0] =	vst v23;
	v19 =	vor.u32 v4, v19  }
0x43: {  	v30 =	vadd.s32 v8, v28;
	[tilespmem:s21+$0xFFFFFFE0] =	vst v17;
	v26 =	vor.u32 v24, v26;
	v17 =	vor.u32 v10, v18  }
0x44: {  	v29 =	vadd.s32 v9, v28;
	[tilespmem:s21+$0xFFFFFFB0] =	vst v21;
	v21 =	vadd.s32 v7, v28;
	v26 =	vor.u32 v0, v26  }
0x45: {  	[tilespmem:s21+$0xFFFFFF90] =	vst v22;
	v23 =	vor.u32 v24, v29;
	v18 =	vor.u32 v24, v30;
	v30 =	vor.u32 v5, v20  }
0x46: {  	s23 =	simm.s32 $0x2;
	v21 =	vor.u32 v24, v21;
	v22 =	vld.idx.msk [tilespmem:v27+s10+$0x0], $0xffff;
	v23 =	vor.u32 v3, v23  }
0x47: {  	v25 =	vadd.s32 v11, v28;
	v28 =	vmov s23;
	v21 =	vor.u32 v1, v21;
	v19 =	vld.idx.msk [tilespmem:v19+s4+$0x0], $0xffff  }
0x48: {  	v24 =	vor.u32 v24, v25;
	v25 =	vshll.u32 v28, $0x8;
	v18 =	vor.u32 v2, v18;
	v29 =	vld.idx.msk [tilespmem:v17+s4+$0x0], $0xffff  }
0x49: {  	v27 =	vshll.u32 v28, $0x7;
	v25 =	vand.u32 $0x3800, v25;
	v24 =	vor.u32 v16, v24;
	v33 =	vld.idx.msk [tilespmem:v26+s4+$0x0], $0xffff  }
0x4a: {  	v27 =	vand.u32 $0x300, v27;
	v28 =	vadd.s32 v13, v25;
	v26 =	vld.idx.msk [tilespmem:v30+s4+$0x0], $0xffff  }
0x4b: {  	v20 =	vadd.s32 v9, v25;
	v32 =	vadd.s32 v6, v25;
	v34 =	vadd.s32 v15, v25;
	v23 =	vld.idx.msk [tilespmem:v23+s4+$0x0], $0xffff  }
0x4c: {  	v17 =	vor.u32 v27, v28;
	v28 =	vadd.s32 v8, v25;
	v30 =	vor.u32 v27, v32;
	v31 =	vld.idx.msk [tilespmem:v21+s4+$0x0], $0xffff  }
0x4d: {  	v17 =	vor.u32 v4, v17;
	v21 =	vor.u32 v27, v20;
	v20 =	vor.u32 v27, v28;
	v28 =	vld.idx.msk [tilespmem:v18+s4+$0x0], $0xffff  }
0x4e: {  	v18 =	vadd.s32 v7, v25;
	v35 =	vld.idx.msk [tilespmem:v24+s4+$0x0], $0xffff;
	v20 =	vor.u32 v2, v20;
	v24 =	vadd.f32 v19, v22  }
0x4f: {  	v18 =	vor.u32 v27, v18;
	v21 =	vor.u32 v3, v21;
	v29 =	vadd.f32 v29, v22  }
0x50: {  	v19 =	vor.u32 v1, v18;
	v18 =	vadd.s32 v11, v25;
	v23 =	vadd.f32 v23, v22;
	[tilespmem:s21+$0x0] =	vst v24  }
0x51: {  	v25 =	vadd.s32 v12, v25;
	v18 =	vor.u32 v27, v18;
	v31 =	vadd.f32 v31, v22;
	[tilespmem:s21+$0x50] =	vst v29  }
0x52: {  	v18 =	vor.u32 v16, v18;
	v24 =	vor.u32 v27, v34;
	v28 =	vadd.f32 v28, v22;
	[tilespmem:s21+$0x10] =	vst v23  }
0x53: {  	s24 =	simm.s32 $0x4;
	v27 =	vor.u32 v27, v25;
	v25 =	vor.u32 v0, v30;
	v29 =	vadd.f32 v33, v22;
	[tilespmem:s21+$0x20] =	vst v31  }
0x54: {  	s25 =	simm.s32 $0x10980;
	s22 =	simm.s32 $0x10980;
	s20 =	sshllo.u32 s19, $0x1;
	v27 =	vor.u32 v5, v27;
	v23 =	vor.u32 s23, v14;
	[tilespmem:s21+$0x30] =	vst v28;
	v28 =	vadd.f32 v35, v22  }
.LBB2_3:
0x55: {  	p1 =	slt.u32 s24, $0x3E  }
0x56: {  	s25 =	sadd.s32 $0x100, s25;
	[tilespmem:s21+$0x40] =	vst v29;
	v22 =	vadd.f32 v26, v22;
	s26 =	smov.u32 s24;
	s24 =	sadd.s32 $0x2, s24  }
0x57: {  	s28 =	sadd.s32 $0x1, s23;
	[tilespmem:s21+$0x60] =	vst v28;
	s23 =	smov.u32 s26  }
0x58: {  	v24 =	vor.u32 v10, v24;
	v26 =	vmov s28;
	v28 =	vor.u32 s28, v14;
	[tilespmem:s21+$0x70] =	vst v22;
	s21 =	smov.u32 s22;
	s22 =	smov.u32 s25  }
0x59: {  	v22 =	vld.idx.msk [tilespmem:v25+s4+$0x0], $0xffff;
	v25 =	vshll.u32 v26, $0x8;
	v26 =	vshll.u32 v26, $0x7  }
0x5a: {  	v27 =	vld.idx.msk [tilespmem:v27+s4+$0x0], $0xffff;
	v25 =	vand.u32 $0x3800, v25;
	v26 =	vand.u32 $0x380, v26  }
0x5b: {  	v23 =	vld.idx.msk [tilespmem:v23+s10+$0x0], $0xffff;
	v29 =	vadd.s32 v13, v25;
	v30 =	vadd.s32 v12, v25  }
0x5c: {  	v31 =	vadd.s32 v15, v25;
	v20 =	vld.idx.msk [tilespmem:v20+s4+$0x0], $0xffff;
	v29 =	vor.u32 v26, v29;
	v30 =	vor.u32 v26, v30  }
0x5d: {  	v32 =	vadd.s32 v8, v25;
	v33 =	vadd.s32 v11, v25;
	v31 =	vor.u32 v26, v31;
	v24 =	vld.idx.msk [tilespmem:v24+s4+$0x0], $0xffff  }
0x5e: {  	v34 =	vadd.s32 v9, v25;
	v35 =	vadd.s32 v7, v25;
	v33 =	vor.u32 v26, v33  }
0x5f: {  	v25 =	vadd.s32 v6, v25;
	v35 =	vor.u32 v26, v35;
	v32 =	vor.u32 v26, v32  }
0x60: {  	v36 =	vmov s23;
	v29 =	vor.u32 v4, v29;
	v32 =	vor.u32 v2, v32;
	v19 =	vld.idx.msk [tilespmem:v19+s4+$0x0], $0xffff  }
0x61: {  	v37 =	vshll.u32 v36, $0x8;
	v36 =	vshll.u32 v36, $0x7;
	v22 =	vadd.f32 v22, v23;
	v21 =	vld.idx.msk [tilespmem:v21+s4+$0x0], $0xffff  }
0x62: {  	v37 =	vand.u32 $0x3800, v37;
	v36 =	vand.u32 $0x300, v36;
	v39 =	vadd.f32 v20, v23;
	v38 =	vld.idx.msk [tilespmem:v17+s4+$0x0], $0xffff  }
0x63: {  	v20 =	vadd.s32 v9, v37;
	v17 =	vadd.s32 v13, v37;
	v24 =	vadd.f32 v24, v23;
	v18 =	vld.idx.msk [tilespmem:v18+s4+$0x0], $0xffff  }
0x64: {  	v40 =	vadd.s32 v8, v37;
	v27 =	vadd.f32 v27, v23;
	v17 =	vor.u32 v36, v17  }
0x65: {  	v41 =	vor.u32 v36, v20;
	v17 =	vor.u32 v4, v17;
	[tilespmem:s21+$0xFFFFFFD0] =	vst v24;
	v24 =	vor.u32 v26, v34  }
0x66: {  	v20 =	vor.u32 v36, v40;
	v34 =	vadd.s32 v7, v37;
	v19 =	vadd.f32 v19, v23;
	[tilespmem:s21+$0xFFFFFFF0] =	vst v27  }
0x67: {  	v20 =	vor.u32 v2, v20;
	v27 =	vadd.s32 v6, v37;
	v40 =	vor.u32 v3, v24;
	[tilespmem:s21+$0xFFFFFFC0] =	vst v22  }
0x68: {  	v24 =	vadd.s32 v15, v37;
	v22 =	vor.u32 v36, v34;
	v34 =	vadd.f32 v38, v23;
	[tilespmem:s21+$0xFFFFFFA0] =	vst v19  }
0x69: {  	v19 =	vor.u32 v1, v22;
	v22 =	vadd.s32 v11, v37;
	v38 =	vadd.f32 v18, v23;
	[tilespmem:s21+$0xFFFFFFB0] =	vst v39  }
0x6a: {  	v27 =	vor.u32 v36, v27;
	v18 =	vor.u32 v36, v22;
	v22 =	vadd.f32 v21, v23;
	[tilespmem:s21+$0xFFFFFF80] =	vst v34  }
0x6b: {  	v25 =	vor.u32 v26, v25;
	v26 =	vor.u32 v10, v31;
	v18 =	vor.u32 v16, v18;
	[tilespmem:s21+$0xFFFFFFE0] =	vst v38  }
0x6c: {  	v31 =	vor.u32 v1, v35;
	v24 =	vor.u32 v36, v24;
	v21 =	vor.u32 v3, v41;
	[tilespmem:s21+$0xFFFFFF90] =	vst v22  }
0x6d: {  	v34 =	vadd.s32 v12, v37;
	v22 =	vld.idx.msk [tilespmem:v28+s10+$0x0], $0xffff  }
0x6e: {  	v23 =	vor.u32 s23, v14;
	v28 =	vor.u32 v36, v34;
	v34 =	vor.u32 v0, v25;
	v29 =	vld.idx.msk [tilespmem:v29+s4+$0x0], $0xffff  }
0x6f: {  	v33 =	vor.u32 v16, v33;
	v35 =	vld.idx.msk [tilespmem:v40+s4+$0x0], $0xffff  }
0x70: {  	v36 =	vld.idx.msk [tilespmem:v26+s4+$0x0], $0xffff;
	v26 =	vor.u32 v5, v30  }
0x71: {  	v25 =	vor.u32 v0, v27;
	v27 =	vld.idx.msk [tilespmem:v31+s4+$0x0], $0xffff  }
0x72: {  	v30 =	vld.idx.msk [tilespmem:v32+s4+$0x0], $0xffff  }
0x73: {  	v31 =	vld.idx.msk [tilespmem:v34+s4+$0x0], $0xffff  }
0x74: {  	v29 =	vadd.f32 v29, v22;
	v32 =	vld.idx.msk [tilespmem:v33+s4+$0x0], $0xffff  }
0x75: {  	v33 =	vadd.f32 v35, v22;
	v26 =	vld.idx.msk [tilespmem:v26+s4+$0x0], $0xffff  }
.Ltmp0:
0x76: {  	[tilespmem:s21+$0x0] =	vst v29;
	v29 =	vadd.f32 v36, v22;
	(pc) =	sbr.rel @p1 .LBB2_3-.Ltmp0, $4  }
0x77: {  	v27 =	vadd.f32 v27, v22;
	[tilespmem:s21+$0x10] =	vst v33  }
0x78: {  	v30 =	vadd.f32 v30, v22;
	[tilespmem:s21+$0x50] =	vst v29  }
0x79: {  	v29 =	vadd.f32 v31, v22;
	[tilespmem:s21+$0x20] =	vst v27  }
0x7a: {  	v27 =	vor.u32 v5, v28;
	v28 =	vadd.f32 v32, v22;
	[tilespmem:s21+$0x30] =	vst v30  }
0x7b: {  	_ = 	snop  }
0x7c: {  	[tilespmem:s21+$0x40] =	vst v29;
	v22 =	vadd.f32 v26, v22  }
0x7d: {  	[tilespmem:s21+$0x60] =	vst v28  }
0x7e: {  	v24 =	vor.u32 v10, v24;
	[tilespmem:s21+$0x70] =	vst v22  }
0x7f: {  	v22 =	vld.idx.msk [tilespmem:v25+s4+$0x0], $0xffff  }
0x80: {  	v23 =	vld.idx.msk [tilespmem:v23+s10+$0x0], $0xffff  }
0x81: {  	v25 =	vld.idx.msk [tilespmem:v27+s4+$0x0], $0xffff;
	_ =	sdelay $0x1  }
0x82: {  	v24 =	vld.idx.msk [tilespmem:v24+s4+$0x0], $0xffff  }
0x83: {  	v19 =	vld.idx.msk [tilespmem:v19+s4+$0x0], $0xffff  }
0x84: {  	s25 =	sadd.s32 $0x1, s23;
	v20 =	vld.idx.msk [tilespmem:v20+s4+$0x0], $0xffff  }
0x85: {  	v26 =	vmov s25;
	v17 =	vld.idx.msk [tilespmem:v17+s4+$0x0], $0xffff;
	v25 =	vadd.f32 v25, v23  }
0x86: {  	v14 =	vor.u32 s25, v14;
	v27 =	vshll.u32 v26, $0x8;
	v18 =	vld.idx.msk [tilespmem:v18+s4+$0x0], $0xffff;
	v22 =	vadd.f32 v22, v23  }
0x87: {  	v21 =	vld.idx.msk [tilespmem:v21+s4+$0x0], $0xffff;
	v26 =	vshll.u32 v26, $0x7;
	v27 =	vand.u32 $0x3800, v27;
	v24 =	vadd.f32 v24, v23;
	[tilespmem:s22+$0xFFFFFFF0] =	vst v25  }
0x88: {  	v13 =	vadd.s32 v13, v27;
	v9 =	vadd.s32 v9, v27;
	v19 =	vadd.f32 v19, v23;
	[tilespmem:s22+$0xFFFFFFC0] =	vst v22  }
0x89: {  	v7 =	vadd.s32 v7, v27;
	v20 =	vadd.f32 v20, v23;
	[tilespmem:s22+$0xFFFFFFD0] =	vst v24;
	v24 =	vand.u32 $0x380, v26  }
0x8a: {  	v8 =	vadd.s32 v8, v27;
	v17 =	vadd.f32 v17, v23;
	[tilespmem:s22+$0xFFFFFFA0] =	vst v19;
	v13 =	vor.u32 v24, v13  }
0x8b: {  	[tilespmem:s22+$0xFFFFFFB0] =	vst v20;
	v9 =	vor.u32 v24, v9;
	v4 =	vor.u32 v4, v13;
	v13 =	vadd.f32 v18, v23  }
0x8c: {  	[tilespmem:s22+$0xFFFFFF80] =	vst v17;
	v7 =	vor.u32 v24, v7;
	v3 =	vor.u32 v3, v9;
	v9 =	vadd.f32 v21, v23  }
0x8d: {  	v6 =	vadd.s32 v6, v27;
	v8 =	vor.u32 v24, v8;
	v1 =	vor.u32 v1, v7;
	[tilespmem:s22+$0xFFFFFFE0] =	vst v13  }
0x8e: {  	v15 =	vadd.s32 v15, v27;
	v6 =	vor.u32 v24, v6;
	v2 =	vor.u32 v2, v8;
	[tilespmem:s22+$0xFFFFFF90] =	vst v9  }
0x8f: {  	v15 =	vor.u32 v24, v15;
	v7 =	vadd.s32 v11, v27;
	v0 =	vor.u32 v0, v6;
	v8 =	vld.idx.msk [tilespmem:v14+s10+$0x0], $0xffff  }
0x90: {  	v10 =	vor.u32 v10, v15;
	v7 =	vor.u32 v24, v7;
	v9 =	vadd.s32 v12, v27;
	v4 =	vld.idx.msk [tilespmem:v4+s4+$0x0], $0xffff  }
0x91: {  	v7 =	vor.u32 v16, v7;
	v6 =	vor.u32 v24, v9;
	v3 =	vld.idx.msk [tilespmem:v3+s4+$0x0], $0xffff  }
0x92: {  	v5 =	vor.u32 v5, v6;
	v1 =	vld.idx.msk [tilespmem:v1+s4+$0x0], $0xffff  }
0x93: {  	v2 =	vld.idx.msk [tilespmem:v2+s4+$0x0], $0xffff  }
0x94: {  	v0 =	vld.idx.msk [tilespmem:v0+s4+$0x0], $0xffff  }
0x95: {  	v9 =	vld.idx.msk [tilespmem:v10+s4+$0x0], $0xffff;
	v4 =	vadd.f32 v4, v8  }
0x96: {  	v6 =	vld.idx.msk [tilespmem:v7+s4+$0x0], $0xffff;
	v3 =	vadd.f32 v3, v8  }
0x97: {  	v5 =	vld.idx.msk [tilespmem:v5+s4+$0x0], $0xffff;
	v1 =	vadd.f32 v1, v8;
	[tilespmem:s22+$0x0] =	vst v4  }
0x98: {  	v2 =	vadd.f32 v2, v8;
	[tilespmem:s22+$0x10] =	vst v3  }
0x99: {  	v0 =	vadd.f32 v0, v8;
	[tilespmem:s22+$0x20] =	vst v1  }
0x9a: {  	v4 =	vadd.f32 v9, v8;
	[tilespmem:s22+$0x30] =	vst v2  }
0x9b: {  	s26 =	sshll.u32 s19, $0x13;
	v1 =	vadd.f32 v6, v8;
	[tilespmem:s22+$0x40] =	vst v0  }
0x9c: {  	s21 =	sor.u32 s5, s26;
	[tilespmem:s22+$0x50] =	vst v4;
	v0 =	vadd.f32 v5, v8  }
0x9d: {  	s21 =	sshrl.u32 s21, $0x3;
	[tilespmem:s22+$0x60] =	vst v1  }
0x9e: {  	s21 =	sadd.s32 s2, s21;
	[tilespmem:s22+$0x70] =	vst v0  }
0x9f: {  	[hbm4b:s21+s11] =	stream.strided.scatter [tilespmem:s14], [sflag:$0x1], $0x2000, s12, s11, $0x38;
	[tilespmem:$0x14800] =	vst v63  }
0xa0: {  	s21 =	simm.s32 @!p0 $0x2  }
0xa1: {  	_ =	swait.ge @!p0 [sflag:s21], $0x2000  }
0xa2: {  	s28 =	sshll.u32 s20, $0x7;
	[sflag:s21] =	ssyncset.done @!p0 $0x0  }
0xa3: {  	s29 =	sand.u32 $0x3FFFFF80, s28;
	[sflag:s21] =	ssyncadd.s32 @!p0 $0xFFFFE000  }
0xa4: {  	v0 =	vld [tilespmem:s29+$0xA400]  }
0xa5: {  	v1 =	vld [tilespmem:s29+$0xA410]  }
0xa6: {  	v2 =	vld [tilespmem:s29+$0xA420]  }
0xa7: {  	s30 =	simm.s32 $0x0;
	v16 =	vld [tilespmem:s29+$0xA460]  }
0xa8: {  	v11 =	vmov s30;
	v5 =	vld [tilespmem:s29+$0xA430]  }
0xa9: {  	v18 =	vshll.u32 v11, $0x7;
	v14 =	vmov s28;
	v6 =	vld [tilespmem:s29+$0xA440]  }
0xaa: {  	v22 =	vor.u32 s30, v14;
	v10 =	vld [tilespmem:s29+$0xA450];
	v4 =	vand.u32 $0x7F, v0;
	v0 =	vshll.u32 v0, $0x3  }
0xab: {  	v3 =	vand.u32 $0x7F, v1;
	v13 =	vand.u32 $0xFFFFFC00, v0;
	v0 =	vshll.u32 v1, $0x3  }
0xac: {  	v17 =	vshll.u32 v16, $0x3;
	v9 =	vand.u32 $0xFFFFFC00, v0;
	v0 =	vshll.u32 v2, $0x3  }
0xad: {  	v12 =	vld [tilespmem:s29+$0xA470];
	v1 =	vand.u32 $0x7F, v2;
	v7 =	vand.u32 $0xFFFFFC00, v0;
	v0 =	vshll.u32 v5, $0x3  }
0xae: {  	v2 =	vand.u32 $0x7F, v5;
	v5 =	vshll.u32 v6, $0x3;
	v8 =	vand.u32 $0xFFFFFC00, v0  }
0xaf: {  	v0 =	vand.u32 $0x7F, v6;
	v6 =	vand.u32 $0xFFFFFC00, v5;
	v5 =	vshll.u32 v10, $0x3  }
0xb0: {  	v10 =	vand.u32 $0x7F, v10;
	v15 =	vand.u32 $0xFFFFFC00, v5;
	v5 =	vshll.u32 v11, $0x8  }
0xb1: {  	v11 =	vand.u32 $0xFFFFFC00, v17;
	v17 =	vand.u32 $0x300, v18;
	v19 =	vand.u32 $0x3800, v5  }
0xb2: {  	v5 =	vand.u32 $0x7F, v12;
	v12 =	vshll.u32 v12, $0x3;
	v18 =	vadd.s32 v6, v19  }
0xb3: {  	v12 =	vand.u32 $0xFFFFFC00, v12;
	v20 =	vadd.s32 v15, v19;
	v18 =	vor.u32 v17, v18  }
0xb4: {  	v25 =	vadd.s32 v9, v19;
	v20 =	vor.u32 v17, v20;
	v18 =	vor.u32 v0, v18  }
0xb5: {  	v26 =	vadd.s32 v13, v19;
	v25 =	vor.u32 v17, v25;
	v20 =	vor.u32 v10, v20  }
0xb6: {  	v21 =	vadd.s32 v12, v19;
	v26 =	vor.u32 v17, v26;
	v25 =	vor.u32 v3, v25  }
0xb7: {  	v23 =	vadd.s32 v8, v19;
	v21 =	vor.u32 v17, v21;
	v26 =	vor.u32 v4, v26  }
0xb8: {  	v22 =	vld.idx.msk [tilespmem:v22+s10+$0x0], $0xffff;
	v24 =	vadd.s32 v7, v19;
	v23 =	vor.u32 v17, v23;
	v21 =	vor.u32 v5, v21  }
0xb9: {  	v24 =	vor.u32 v17, v24;
	v19 =	vadd.s32 v11, v19;
	v23 =	vor.u32 v2, v23;
	v18 =	vld.idx.msk [tilespmem:v18+s4+$0x0], $0xffff  }
0xba: {  	v16 =	vand.u32 $0x7F, v16;
	v24 =	vor.u32 v1, v24;
	v17 =	vor.u32 v17, v19;
	v19 =	vld.idx.msk [tilespmem:v20+s4+$0x0], $0xffff  }
0xbb: {  	v17 =	vor.u32 v16, v17;
	v25 =	vld.idx.msk [tilespmem:v25+s4+$0x0], $0xffff  }
0xbc: {  	v26 =	vld.idx.msk [tilespmem:v26+s4+$0x0], $0xffff  }
0xbd: {  	v20 =	vld.idx.msk [tilespmem:v21+s4+$0x0], $0xffff  }
0xbe: {  	v21 =	vld.idx.msk [tilespmem:v23+s4+$0x0], $0xffff  }
0xbf: {  	s31 =	simm.s32 $0x1;
	v23 =	vld.idx.msk [tilespmem:v24+s4+$0x0], $0xffff  }
0xc0: {  	v24 =	vmov s31;
	v17 =	vld.idx.msk [tilespmem:v17+s4+$0x0], $0xffff  }
0xc1: {  	v27 =	vor.u32 s31, v14;
	v28 =	vshll.u32 v24, $0x8;
	v19 =	vadd.f32 v19, v22  }
0xc2: {  	s21 =	simm.s32 $0x12880;
	v24 =	vshll.u32 v24, $0x7;
	v28 =	vand.u32 $0x3800, v28;
	v18 =	vadd.f32 v18, v22  }
0xc3: {  	v24 =	vand.u32 $0x380, v24;
	v26 =	vadd.f32 v26, v22;
	v20 =	vadd.f32 v20, v22;
	[tilespmem:s21+$0xFFFFFFD0] =	vst v19  }
0xc4: {  	v29 =	vadd.s32 v13, v28;
	v23 =	vadd.f32 v23, v22;
	v21 =	vadd.f32 v21, v22;
	[tilespmem:s21+$0xFFFFFFC0] =	vst v18  }
0xc5: {  	v30 =	vadd.s32 v12, v28;
	v17 =	vadd.f32 v17, v22;
	v22 =	vadd.f32 v25, v22;
	[tilespmem:s21+$0xFFFFFF80] =	vst v26  }
0xc6: {  	v19 =	vor.u32 v24, v29;
	v29 =	vadd.s32 v15, v28;
	v26 =	vadd.s32 v6, v28;
	[tilespmem:s21+$0xFFFFFFF0] =	vst v20  }
0xc7: {  	v20 =	vor.u32 v24, v30;
	v18 =	vor.u32 v24, v29;
	[tilespmem:s21+$0xFFFFFFA0] =	vst v23;
	v19 =	vor.u32 v4, v19  }
0xc8: {  	v30 =	vadd.s32 v8, v28;
	[tilespmem:s21+$0xFFFFFFE0] =	vst v17;
	v26 =	vor.u32 v24, v26;
	v17 =	vor.u32 v10, v18  }
0xc9: {  	v29 =	vadd.s32 v9, v28;
	[tilespmem:s21+$0xFFFFFFB0] =	vst v21;
	v21 =	vadd.s32 v7, v28;
	v26 =	vor.u32 v0, v26  }
0xca: {  	[tilespmem:s21+$0xFFFFFF90] =	vst v22;
	v23 =	vor.u32 v24, v29;
	v18 =	vor.u32 v24, v30;
	v30 =	vor.u32 v5, v20  }
0xcb: {  	s23 =	simm.s32 $0x2;
	v21 =	vor.u32 v24, v21;
	v22 =	vld.idx.msk [tilespmem:v27+s10+$0x0], $0xffff;
	v23 =	vor.u32 v3, v23  }
0xcc: {  	v25 =	vadd.s32 v11, v28;
	v28 =	vmov s23;
	v21 =	vor.u32 v1, v21;
	v19 =	vld.idx.msk [tilespmem:v19+s4+$0x0], $0xffff  }
0xcd: {  	v24 =	vor.u32 v24, v25;
	v25 =	vshll.u32 v28, $0x8;
	v18 =	vor.u32 v2, v18;
	v29 =	vld.idx.msk [tilespmem:v17+s4+$0x0], $0xffff  }
0xce: {  	v27 =	vshll.u32 v28, $0x7;
	v25 =	vand.u32 $0x3800, v25;
	v24 =	vor.u32 v16, v24;
	v33 =	vld.idx.msk [tilespmem:v26+s4+$0x0], $0xffff  }
0xcf: {  	v27 =	vand.u32 $0x300, v27;
	v28 =	vadd.s32 v13, v25;
	v26 =	vld.idx.msk [tilespmem:v30+s4+$0x0], $0xffff  }
0xd0: {  	v20 =	vadd.s32 v9, v25;
	v32 =	vadd.s32 v6, v25;
	v34 =	vadd.s32 v15, v25;
	v23 =	vld.idx.msk [tilespmem:v23+s4+$0x0], $0xffff  }
0xd1: {  	v17 =	vor.u32 v27, v28;
	v28 =	vadd.s32 v8, v25;
	v30 =	vor.u32 v27, v32;
	v31 =	vld.idx.msk [tilespmem:v21+s4+$0x0], $0xffff  }
0xd2: {  	v17 =	vor.u32 v4, v17;
	v21 =	vor.u32 v27, v20;
	v20 =	vor.u32 v27, v28;
	v28 =	vld.idx.msk [tilespmem:v18+s4+$0x0], $0xffff  }
0xd3: {  	v18 =	vadd.s32 v7, v25;
	v35 =	vld.idx.msk [tilespmem:v24+s4+$0x0], $0xffff;
	v20 =	vor.u32 v2, v20;
	v24 =	vadd.f32 v19, v22  }
0xd4: {  	v18 =	vor.u32 v27, v18;
	v21 =	vor.u32 v3, v21;
	v29 =	vadd.f32 v29, v22  }
0xd5: {  	v19 =	vor.u32 v1, v18;
	v18 =	vadd.s32 v11, v25;
	v23 =	vadd.f32 v23, v22;
	[tilespmem:s21+$0x0] =	vst v24  }
0xd6: {  	v25 =	vadd.s32 v12, v25;
	v18 =	vor.u32 v27, v18;
	v31 =	vadd.f32 v31, v22;
	[tilespmem:s21+$0x50] =	vst v29  }
0xd7: {  	v18 =	vor.u32 v16, v18;
	v24 =	vor.u32 v27, v34;
	v28 =	vadd.f32 v28, v22;
	[tilespmem:s21+$0x10] =	vst v23  }
0xd8: {  	v27 =	vor.u32 v27, v25;
	v25 =	vor.u32 v0, v30;
	v29 =	vadd.f32 v33, v22;
	[tilespmem:s21+$0x20] =	vst v31  }
0xd9: {  	s24 =	simm.s32 $0x4;
	s25 =	simm.s32 $0x12980;
	s22 =	simm.s32 $0x12980;
	v27 =	vor.u32 v5, v27;
	v23 =	vor.u32 s23, v14;
	[tilespmem:s21+$0x30] =	vst v28;
	v28 =	vadd.f32 v35, v22  }
.LBB2_5:
0xda: {  	p0 =	slt.u32 s24, $0x3E  }
0xdb: {  	s25 =	sadd.s32 $0x100, s25;
	[tilespmem:s21+$0x40] =	vst v29;
	v22 =	vadd.f32 v26, v22;
	s26 =	smov.u32 s24;
	s24 =	sadd.s32 $0x2, s24  }
0xdc: {  	s28 =	sadd.s32 $0x1, s23;
	[tilespmem:s21+$0x60] =	vst v28;
	s23 =	smov.u32 s26  }
0xdd: {  	v24 =	vor.u32 v10, v24;
	v26 =	vmov s28;
	v28 =	vor.u32 s28, v14;
	[tilespmem:s21+$0x70] =	vst v22;
	s21 =	smov.u32 s22;
	s22 =	smov.u32 s25  }
0xde: {  	v22 =	vld.idx.msk [tilespmem:v25+s4+$0x0], $0xffff;
	v25 =	vshll.u32 v26, $0x8;
	v26 =	vshll.u32 v26, $0x7  }
0xdf: {  	v27 =	vld.idx.msk [tilespmem:v27+s4+$0x0], $0xffff;
	v25 =	vand.u32 $0x3800, v25;
	v26 =	vand.u32 $0x380, v26  }
0xe0: {  	v23 =	vld.idx.msk [tilespmem:v23+s10+$0x0], $0xffff;
	v29 =	vadd.s32 v13, v25;
	v30 =	vadd.s32 v12, v25  }
0xe1: {  	v31 =	vadd.s32 v15, v25;
	v20 =	vld.idx.msk [tilespmem:v20+s4+$0x0], $0xffff;
	v29 =	vor.u32 v26, v29;
	v30 =	vor.u32 v26, v30  }
0xe2: {  	v32 =	vadd.s32 v8, v25;
	v33 =	vadd.s32 v11, v25;
	v31 =	vor.u32 v26, v31;
	v24 =	vld.idx.msk [tilespmem:v24+s4+$0x0], $0xffff  }
0xe3: {  	v34 =	vadd.s32 v9, v25;
	v35 =	vadd.s32 v7, v25;
	v33 =	vor.u32 v26, v33  }
0xe4: {  	v25 =	vadd.s32 v6, v25;
	v35 =	vor.u32 v26, v35;
	v32 =	vor.u32 v26, v32  }
0xe5: {  	v36 =	vmov s23;
	v29 =	vor.u32 v4, v29;
	v32 =	vor.u32 v2, v32;
	v19 =	vld.idx.msk [tilespmem:v19+s4+$0x0], $0xffff  }
0xe6: {  	v37 =	vshll.u32 v36, $0x8;
	v36 =	vshll.u32 v36, $0x7;
	v22 =	vadd.f32 v22, v23;
	v21 =	vld.idx.msk [tilespmem:v21+s4+$0x0], $0xffff  }
0xe7: {  	v37 =	vand.u32 $0x3800, v37;
	v36 =	vand.u32 $0x300, v36;
	v39 =	vadd.f32 v20, v23;
	v38 =	vld.idx.msk [tilespmem:v17+s4+$0x0], $0xffff  }
0xe8: {  	v20 =	vadd.s32 v9, v37;
	v17 =	vadd.s32 v13, v37;
	v24 =	vadd.f32 v24, v23;
	v18 =	vld.idx.msk [tilespmem:v18+s4+$0x0], $0xffff  }
0xe9: {  	v40 =	vadd.s32 v8, v37;
	v27 =	vadd.f32 v27, v23;
	v17 =	vor.u32 v36, v17  }
0xea: {  	v41 =	vor.u32 v36, v20;
	v17 =	vor.u32 v4, v17;
	[tilespmem:s21+$0xFFFFFFD0] =	vst v24;
	v24 =	vor.u32 v26, v34  }
0xeb: {  	v20 =	vor.u32 v36, v40;
	v34 =	vadd.s32 v7, v37;
	v19 =	vadd.f32 v19, v23;
	[tilespmem:s21+$0xFFFFFFF0] =	vst v27  }
0xec: {  	v20 =	vor.u32 v2, v20;
	v27 =	vadd.s32 v6, v37;
	v40 =	vor.u32 v3, v24;
	[tilespmem:s21+$0xFFFFFFC0] =	vst v22  }
0xed: {  	v24 =	vadd.s32 v15, v37;
	v22 =	vor.u32 v36, v34;
	v34 =	vadd.f32 v38, v23;
	[tilespmem:s21+$0xFFFFFFA0] =	vst v19  }
0xee: {  	v19 =	vor.u32 v1, v22;
	v22 =	vadd.s32 v11, v37;
	v38 =	vadd.f32 v18, v23;
	[tilespmem:s21+$0xFFFFFFB0] =	vst v39  }
0xef: {  	v27 =	vor.u32 v36, v27;
	v18 =	vor.u32 v36, v22;
	v22 =	vadd.f32 v21, v23;
	[tilespmem:s21+$0xFFFFFF80] =	vst v34  }
0xf0: {  	v25 =	vor.u32 v26, v25;
	v26 =	vor.u32 v10, v31;
	v18 =	vor.u32 v16, v18;
	[tilespmem:s21+$0xFFFFFFE0] =	vst v38  }
0xf1: {  	v31 =	vor.u32 v1, v35;
	v24 =	vor.u32 v36, v24;
	v21 =	vor.u32 v3, v41;
	[tilespmem:s21+$0xFFFFFF90] =	vst v22  }
0xf2: {  	v34 =	vadd.s32 v12, v37;
	v22 =	vld.idx.msk [tilespmem:v28+s10+$0x0], $0xffff  }
0xf3: {  	v23 =	vor.u32 s23, v14;
	v28 =	vor.u32 v36, v34;
	v34 =	vor.u32 v0, v25;
	v29 =	vld.idx.msk [tilespmem:v29+s4+$0x0], $0xffff  }
0xf4: {  	v33 =	vor.u32 v16, v33;
	v35 =	vld.idx.msk [tilespmem:v40+s4+$0x0], $0xffff  }
0xf5: {  	v36 =	vld.idx.msk [tilespmem:v26+s4+$0x0], $0xffff;
	v26 =	vor.u32 v5, v30  }
0xf6: {  	v25 =	vor.u32 v0, v27;
	v27 =	vld.idx.msk [tilespmem:v31+s4+$0x0], $0xffff  }
0xf7: {  	v30 =	vld.idx.msk [tilespmem:v32+s4+$0x0], $0xffff  }
0xf8: {  	v31 =	vld.idx.msk [tilespmem:v34+s4+$0x0], $0xffff  }
0xf9: {  	v29 =	vadd.f32 v29, v22;
	v32 =	vld.idx.msk [tilespmem:v33+s4+$0x0], $0xffff  }
0xfa: {  	v33 =	vadd.f32 v35, v22;
	v26 =	vld.idx.msk [tilespmem:v26+s4+$0x0], $0xffff  }
.Ltmp1:
0xfb: {  	[tilespmem:s21+$0x0] =	vst v29;
	v29 =	vadd.f32 v36, v22;
	(pc) =	sbr.rel @p0 .LBB2_5-.Ltmp1, $4  }
0xfc: {  	v27 =	vadd.f32 v27, v22;
	[tilespmem:s21+$0x10] =	vst v33  }
0xfd: {  	v30 =	vadd.f32 v30, v22;
	[tilespmem:s21+$0x50] =	vst v29  }
0xfe: {  	v29 =	vadd.f32 v31, v22;
	[tilespmem:s21+$0x20] =	vst v27  }
0xff: {  	v27 =	vor.u32 v5, v28;
	v28 =	vadd.f32 v32, v22;
	[tilespmem:s21+$0x30] =	vst v30  }
0x100: {  	_ = 	snop  }
0x101: {  	[tilespmem:s21+$0x40] =	vst v29;
	v22 =	vadd.f32 v26, v22  }
0x102: {  	[tilespmem:s21+$0x60] =	vst v28  }
0x103: {  	[tilespmem:s21+$0x70] =	vst v22  }
0x104: {  	v23 =	vld.idx.msk [tilespmem:v23+s10+$0x0], $0xffff  }
0x105: {  	v48 =	vld.idx.msk [tilespmem:v27+s4+$0x0], $0xffff  }
0x106: {  	v22 =	vld.idx.msk [tilespmem:v25+s4+$0x0], $0xffff  }
0x107: {  	v24 =	vor.u32 v10, v24;
	v19 =	vld.idx.msk [tilespmem:v19+s4+$0x0], $0xffff  }
0x108: {  	v20 =	vld.idx.msk [tilespmem:v20+s4+$0x0], $0xffff  }
0x109: {  	s31 =	sadd.s32 $0x1, s23;
	v17 =	vld.idx.msk [tilespmem:v17+s4+$0x0], $0xffff  }
0x10a: {  	v49 =	vmov s31;
	v18 =	vld.idx.msk [tilespmem:v18+s4+$0x0], $0xffff;
	v25 =	vadd.f32 v48, v23  }
0x10b: {  	v14 =	vor.u32 s31, v14;
	v50 =	vshll.u32 v49, $0x8;
	v21 =	vld.idx.msk [tilespmem:v21+s4+$0x0], $0xffff;
	v22 =	vadd.f32 v22, v23  }
0x10c: {  	v26 =	vshll.u32 v49, $0x7;
	v27 =	vand.u32 $0x3800, v50;
	v24 =	vld.idx.msk [tilespmem:v24+s4+$0x0], $0xffff;
	v19 =	vadd.f32 v19, v23;
	[tilespmem:s22+$0xFFFFFFF0] =	vst v25  }
0x10d: {  	v51 =	vand.u32 $0x380, v26;
	v13 =	vadd.s32 v13, v27;
	v20 =	vadd.f32 v20, v23;
	[tilespmem:s22+$0xFFFFFFC0] =	vst v22  }
0x10e: {  	v15 =	vadd.s32 v15, v27;
	v9 =	vadd.s32 v9, v27;
	v17 =	vadd.f32 v17, v23;
	[tilespmem:s22+$0xFFFFFFA0] =	vst v19  }
0x10f: {  	v7 =	vadd.s32 v7, v27;
	v13 =	vor.u32 v51, v13;
	v52 =	vadd.f32 v18, v23;
	[tilespmem:s22+$0xFFFFFFB0] =	vst v20  }
0x110: {  	v9 =	vor.u32 v51, v9;
	v4 =	vor.u32 v4, v13;
	v53 =	vadd.f32 v21, v23;
	[tilespmem:s22+$0xFFFFFF80] =	vst v17  }
0x111: {  	v15 =	vor.u32 v51, v15;
	v3 =	vor.u32 v3, v9;
	v24 =	vadd.f32 v24, v23;
	[tilespmem:s22+$0xFFFFFFE0] =	vst v52  }
0x112: {  	v8 =	vadd.s32 v8, v27;
	v7 =	vor.u32 v51, v7;
	v54 =	vor.u32 v10, v15;
	[tilespmem:s22+$0xFFFFFF90] =	vst v53  }
0x113: {  	v6 =	vadd.s32 v6, v27;
	v8 =	vor.u32 v51, v8;
	v1 =	vor.u32 v1, v7;
	[tilespmem:s22+$0xFFFFFFD0] =	vst v24  }
0x114: {  	v55 =	vadd.s32 v11, v27;
	v6 =	vor.u32 v51, v6;
	v2 =	vor.u32 v2, v8;
	v56 =	vld.idx.msk [tilespmem:v14+s10+$0x0], $0xffff  }
0x115: {  	v57 =	vadd.s32 v12, v27;
	v7 =	vor.u32 v51, v55;
	v0 =	vor.u32 v0, v6;
	v4 =	vld.idx.msk [tilespmem:v4+s4+$0x0], $0xffff  }
0x116: {  	v58 =	vor.u32 v51, v57;
	v7 =	vor.u32 v16, v7;
	v3 =	vld.idx.msk [tilespmem:v3+s4+$0x0], $0xffff  }
0x117: {  	v5 =	vor.u32 v5, v58;
	v59 =	vld.idx.msk [tilespmem:v54+s4+$0x0], $0xffff  }
0x118: {  	v1 =	vld.idx.msk [tilespmem:v1+s4+$0x0], $0xffff  }
0x119: {  	v2 =	vld.idx.msk [tilespmem:v2+s4+$0x0], $0xffff  }
0x11a: {  	v0 =	vld.idx.msk [tilespmem:v0+s4+$0x0], $0xffff;
	v4 =	vadd.f32 v4, v56  }
0x11b: {  	v60 =	vld.idx.msk [tilespmem:v7+s4+$0x0], $0xffff;
	v3 =	vadd.f32 v3, v56  }
0x11c: {  	v5 =	vld.idx.msk [tilespmem:v5+s4+$0x0], $0xffff;
	v61 =	vadd.f32 v59, v56;
	[tilespmem:s22+$0x0] =	vst v4  }
0x11d: {  	v1 =	vadd.f32 v1, v56;
	[tilespmem:s22+$0x10] =	vst v3  }
0x11e: {  	s19 =	sadd.s32 $0x1, s19;
	v2 =	vadd.f32 v2, v56;
	[tilespmem:s22+$0x50] =	vst v61  }
0x11f: {  	p0 =	sne.s32 s19, $0x64;
	v0 =	vadd.f32 v0, v56;
	[tilespmem:s22+$0x20] =	vst v1  }
.Ltmp2:
0x120: {  	s20 =	sshll.u32 s20, $0x12;
	v62 =	vadd.f32 v60, v56;
	[tilespmem:s22+$0x30] =	vst v2;
	(pc) =	sbr.rel @p0 .LBB2_2-.Ltmp2, $4  }
0x121: {  	s20 =	sor.u32 s5, s20;
	v63 =	vadd.f32 v5, v56;
	[tilespmem:s22+$0x40] =	vst v0  }
0x122: {  	s20 =	sshrl.u32 s20, $0x3;
	[tilespmem:s22+$0x60] =	vst v62  }
0x123: {  	s20 =	sadd.s32 s2, s20;
	[tilespmem:s22+$0x70] =	vst v63  }
0x124: {  	[hbm4b:s20+s11] =	stream.strided.scatter [tilespmem:s15], [sflag:$0x2], $0x2000, s12, s11, $0x38;
	[tilespmem:$0x14800] =	vst v63  }
0x125: {  	s18 =	sadd.s32 $0x1, s18  }
0x126: {  	_ =	swait.ge [sflag:s16], $0x2000;
	p0 =	sne.s32 s18, s8  }
.Ltmp3:
0x127: {  	[sflag:s16] =	ssyncset.done $0x0;
	(pc) =	sbr.rel @p0 .LBB2_1-.Ltmp3, $4  }
0x128: {  	[sflag:s16] =	ssyncadd.s32 $0xFFFFE000  }
0x129: {  	_ =	swait.ge [sflag:s17], $0x2000  }
0x12a: {  	[sflag:s17] =	ssyncset.done $0x0  }
0x12b: {  	[sflag:s17] =	ssyncadd.s32 $0xFFFFE000  }
0x12c: {  	_ =	sfence.sel $0x180000  }
0x12d: {  	[bflag:$0x0] =	sbarrier.arrive $0xFFFF  }
0x12e: {  	p0 =	sne.s32 s3, $0x0;
	_ =	strace $0x90000047  }
0x12f: {  	s0 =	sadd.s32 @!p0 $0x100000, s0;
	[bflag:$0x2] =	sbarrier.arrive $0xFFFF  }
0x130: {  	[sflag:s0] =	ssyncadd.tile.s32 @!p0 $0x1;
	_ =	shalt  }
.Lfunc_end2:
_tile_overlayer_lowered:
.L_overlay_start_2:
0x131: {  	(tag) =	ssettag $0x2  }
0x132: {  	s0 =	rddreg [dreg:$0x0];
	s2 =	stileid.u32  }
0x133: {  	s1 =	rddreg [dreg:$0x1];
	p0 =	sne.s32 s2, $0x0  }
0x134: {  	s3 =	rddreg [dreg:$0x2];
	[bflag:$0x3] =	sbarrier.arrive $0xFFFF;
	s2 =	simm.s32 @!p0 $0x1C03  }
0x135: {  	[timem:s3], [sflag:s2] =	dma.local @!p0 [hbm:s0], s1  }
0x136: {  	s0 =	simm.s32 @!p0 $0x3  }
0x137: {  	_ =	swait.ge @!p0 [sflag:s0], s1  }
0x138: {  	s1 =	ssub.s32 @!p0 $0x0, s1;
	[sflag:s0] =	ssyncset.done @!p0 $0x0  }
0x139: {  	[sflag:s0] =	ssyncadd.s32 @!p0 s1  }
0x13a: {  	[bflag:$0x3] =	sbarrier.arrive $0xFFFF  }
0x13b: {  	_ =	shalt  }

</sc_bundles>
